<compile_context>
chip_gen: v7x
topology: tpu7x:2x2x1
jax: 0.10.2.dev20260603
libtpu: 0.0.44.dev20260713+nightly
codegen_flags: <defaults>
</compile_context>

<pallas_src>
import functools

import jax
import jax.numpy as jnp
from jax import lax
from jax.experimental import pallas as pl
from jax.experimental.pallas import tpu as pltpu
from jax.experimental.pallas import tpu_sc as plsc

V = 100000
NROWS = 512
R = 16
NRB = NROWS // R
WS = 128
NFULL = V // WS
TAIL_VALID = V - NFULL * WS
PAD_W = (NFULL + 1) * WS
NSTATES = 8
MIN = float(jnp.finfo(jnp.float32).min)
LOG2E = 1.4426950408889634


def _exp(z):
    return jnp.exp2(z * LOG2E)

SC_NC = 2
SC_NS = 16
SC_NW = SC_NC * SC_NS
SC_RPW = NROWS // SC_NW


def _insert5(state, x):
    r1, r2, r3, r4, r5 = state
    m1 = jnp.maximum(r1, x)
    v1 = jnp.minimum(r1, x)
    m2 = jnp.maximum(r2, v1)
    v2 = jnp.minimum(r2, v1)
    m3 = jnp.maximum(r3, v2)
    v3 = jnp.minimum(r3, v2)
    m4 = jnp.maximum(r4, v3)
    v4 = jnp.minimum(r4, v3)
    m5 = jnp.maximum(r5, v4)
    return (m1, m2, m3, m4, m5)


def _insert_pair(st, xa, xb):
    r1, r2, r3, r4, r5, q1, q2 = st
    pm = jnp.maximum(xa, xb)
    pn = jnp.minimum(xa, xb)
    r1, r2, r3, r4, r5 = _insert5((r1, r2, r3, r4, r5), pm)
    nq1 = jnp.maximum(q1, pn)
    qm = jnp.minimum(q1, pn)
    nq2 = jnp.maximum(q2, qm)
    return [r1, r2, r3, r4, r5, nq1, nq2]


def _make_tc_body(rows, ws, nfull, tail_valid, v, nrb, nstates=NSTATES,
                  npair=3):

    def body(x_ref, t_ref, o_tp, o_m, o_s, o_v1, o_v2, o_v3, o_v4, o_v5):
        rb = pl.program_id(0)
        lane = lax.broadcasted_iota(jnp.int32, (rows, ws), 1)
        u = nstates

        step = 2 * npair
        n1 = nfull // step

        def p1(j, c):
            sts = [list(c[7 * i:7 * i + 7]) for i in range(npair)]
            base = pl.multiple_of(j * (step * ws), ws)
            for i in range(npair):
                xa = x_ref[:, pl.ds(base + (2 * i) * ws, ws)]
                xb = x_ref[:, pl.ds(base + (2 * i + 1) * ws, ws)]
                sts[i] = _insert_pair(sts[i], xa, xb)
            return tuple(x for st in sts for x in st)

        init = tuple(jnp.full((rows, ws), MIN, jnp.float32)
                     for _ in range(7 * npair))
        st = lax.fori_loop(0, n1, p1, init)
        sts = [list(st[7 * i:7 * i + 7]) for i in range(npair)]
        rem = list(range(n1 * step, nfull))
        for i, jj in enumerate(rem):
            x = x_ref[:, pl.ds(jj * ws, ws)]
            sts[i % npair][:5] = _insert5(tuple(sts[i % npair][:5]), x)
        xt = x_ref[:, pl.ds(nfull * ws, ws)]
        xt = jnp.where(lane < tail_valid, xt, MIN)
        i = len(rem) % npair
        sts[i][:5] = _insert5(tuple(sts[i][:5]), xt)

        r1 = functools.reduce(jnp.maximum, [s[0] for s in sts])

        cur = [x for stt in sts for x in stt]
        vs = []
        for k in range(5):
            cm = functools.reduce(jnp.maximum, cur)
            vk = jnp.max(cm, axis=1, keepdims=True)
            vs.append(vk)
            if k < 4:
                cur = [jnp.where(a == vk, MIN, a) for a in cur]

        ws2 = 2 * ws
        nfull2 = v // ws2
        lane2 = lax.broadcasted_iota(jnp.int32, (rows, ws2), 1)
        tail2 = v - nfull2 * ws2
        r1c = jnp.concatenate([r1, r1], axis=1)

        def p2(j, c):
            accs = list(c)
            base = pl.multiple_of(j * (u * ws2), ws2)
            for i in range(u):
                x = x_ref[:, pl.ds(base + i * ws2, ws2)]
                accs[i] = accs[i] + _exp(x - r1c)
            return tuple(accs)

        zero = jnp.zeros((rows, ws2), jnp.float32)
        accs = list(lax.fori_loop(0, nfull2 // u, p2, (zero,) * u))
        for i, jj in enumerate(range((nfull2 // u) * u, nfull2)):
            x = x_ref[:, pl.ds(jj * ws2, ws2)]
            accs[i % u] = accs[i % u] + _exp(x - r1c)
        xt2 = x_ref[:, pl.ds(nfull2 * ws2, ws2)]
        accs[0] = accs[0] + jnp.where(lane2 < tail2, _exp(xt2 - r1c), 0.0)
        s2 = functools.reduce(jnp.add, accs)
        s = s2[:, :ws] + s2[:, ws:]

        lane1 = lax.broadcasted_iota(jnp.int32, (1, ws), 1)
        tvals = []
        for r in range(rows):
            tc = t_ref[rb * rows + r]
            sl = x_ref[pl.ds(r, 1), pl.ds(pl.multiple_of(tc & ~127, 128), ws)]
            tvals.append(jnp.sum(jnp.where(lane1 == (tc & 127), sl, 0.0),
                                 axis=1, keepdims=True))
        tpos = jnp.concatenate(tvals, axis=0)
        m_row = jnp.max(r1, axis=1, keepdims=True)
        s_row = jnp.sum(s * _exp(r1 - m_row), axis=1, keepdims=True)

        for o_ref, val in zip((o_tp, o_m, o_s, o_v1, o_v2, o_v3, o_v4, o_v5),
                              (tpos, m_row, s_row) + tuple(vs)):
            o_ref[0] = val

    return body


_tc_body = _make_tc_body(R, WS, NFULL, TAIL_VALID, V, NRB)


def _tc_loss(logits2, tgt):
    stat = jax.ShapeDtypeStruct((NRB, R, 1), jnp.float32)
    ospec = pl.BlockSpec((1, R, 1), lambda i: (i, 0, 0))
    return pl.pallas_call(
        _tc_body,
        grid=(NRB,),
        in_specs=[
            pl.BlockSpec((R, PAD_W), lambda i: (i, 0)),
            pl.BlockSpec(memory_space=pltpu.SMEM),
        ],
        out_specs=[ospec] * 8,
        out_shape=[stat] * 8,
    )(logits2, tgt)


def _mean_body(x_ref, o_ref):
    o_ref[...] = jnp.full((1, 1), jnp.sum(x_ref[...]) *
                          jnp.float32(1.0 / NROWS), jnp.float32)


def _tc_mean(loss3):
    return pl.pallas_call(
        _mean_body,
        grid=(1,),
        in_specs=[pl.BlockSpec((4, 1, 128), lambda i: (0, 0, 0))],
        out_specs=pl.BlockSpec((1, 1), lambda i: (0, 0)),
        out_shape=jax.ShapeDtypeStruct((1, 1), jnp.float32),
    )(loss3)


def _sc_loss(tp, m, s, v1, v2, v3, v4, v5):
    mesh = plsc.VectorSubcoreMesh(core_axis_name="c", subcore_axis_name="s")

    @functools.partial(
        pl.kernel,
        mesh=mesh,
        out_type=jax.ShapeDtypeStruct((NROWS,), jnp.float32),
        scratch_types=[pltpu.VMEM((SC_RPW,), jnp.float32) for _ in range(9)],
    )
    def k(tp_h, m_h, s_h, v1_h, v2_h, v3_h, v4_h, v5_h, out,
          tp_v, m_v, s_v, v1_v, v2_v, v3_v, v4_v, v5_v, o_v):
        wid = lax.axis_index("s") * SC_NC + lax.axis_index("c")
        base = wid * SC_RPW
        ins = (tp_h, m_h, s_h, v1_h, v2_h, v3_h, v4_h, v5_h)
        scr = (tp_v, m_v, s_v, v1_v, v2_v, v3_v, v4_v, v5_v)
        for h, vv in zip(ins, scr):
            pltpu.sync_copy(h.at[pl.ds(base, SC_RPW)], vv)
        tpv, mv, sv = tp_v[...], m_v[...], s_v[...]
        vals = [v1_v[...], v2_v[...], v3_v[...], v4_v[...], v5_v[...]]
        pos = jnp.exp(tpv - mv) / sv
        sum5 = functools.reduce(
            jnp.add, [jnp.exp(x - mv) for x in vals]) / sv
        in5 = jnp.where(tpv >= vals[4], 1.0, 0.0)
        cnt = 5.0 - in5
        sneg = sum5 - in5 * pos
        o_v[...] = -(cnt * pos - sneg) / cnt
        pltpu.sync_copy(o_v, out.at[pl.ds(base, SC_RPW)])

    return k(tp, m, s, v1, v2, v3, v4, v5)


def _mean_body(x_ref, o_ref):
    o_ref[...] = jnp.full((1, 1), jnp.sum(x_ref[...]) *
                          jnp.float32(1.0 / NROWS), jnp.float32)


def _tc_mean(loss3):
    return pl.pallas_call(
        _mean_body,
        grid=(1,),
        in_specs=[pl.BlockSpec((4, 1, 128), lambda i: (0, 0, 0))],
        out_specs=pl.BlockSpec((1, 1), lambda i: (0, 0)),
        out_shape=jax.ShapeDtypeStruct((1, 1), jnp.float32),
    )(loss3)


def kernel(logits, target):
    b, sq, v = logits.shape
    logits2 = logits.reshape(b * sq, v)
    tgt = target.reshape(-1).astype(jnp.int32)
    stats = _tc_loss(logits2, tgt)
    loss = _sc_loss(*[x.reshape(-1) for x in stats])
    res = _tc_mean(loss.reshape(4, 1, 128))
    return res[0, 0]

# --- scband reference (transcript-rebuilt; emitter-appended) ---
"""Pipeline reference for scband-cpo-loss-slow-11553462026767 (READ-ONLY COPY).

The authoritative reference and input builder live on the scoring server;
editing this copy changes nothing except your own understanding.
"""

import jax, jax.numpy as jnp
import numpy as np

K = 5

def setup_inputs(seed: int = 0) -> dict:
    key = jax.random.key(seed)
    k1, k2 = jax.random.split(key)
    logits = jax.random.normal(k1, (16, 32, 100000), dtype=jnp.float32)
    target = jax.random.randint(k2, (16, 32), 0, 100000)
    return {"logits": logits, "target": target}

def reference(logits, target):
    B, S, V = logits.shape
    logits2 = logits.reshape(B * S, V)
    probs = jax.nn.softmax(logits2, axis=-1)
    tgt = target.reshape(-1, 1)
    pos_prob = jnp.take_along_axis(probs, tgt, axis=1)  # [B*S, 1]
    neg_prob, neg_idx = jax.lax.top_k(probs, K)          # [B*S, K]
    # original loop: include (pos_prob - neg_prob[x]) only where neg_idx[x] != target,
    # then mean over the included entries -> masked mean
    neq = (neg_idx != tgt).astype(probs.dtype)           # [B*S, K]
    diffs = pos_prob - neg_prob                          # [B*S, K]
    loss_i = -(jnp.sum(diffs * neq, axis=1) / jnp.sum(neq, axis=1))
    batch_loss = loss_i.reshape(B, S)
    # mask is None -> plain mean
    return batch_loss.mean()

if __name__ == "__main__":
    import jax
    _d = setup_inputs()
    print(jax.jit(kernel)(*tuple(_d.values())))

</pallas_src>

<mosaic_0001>
#map = affine_map<(d0, d1) -> (0)>
module attributes {stable_mosaic.version = 14 : i64} {
  func.func @k(%arg0: i32, %arg1: i32, %arg2: memref<512xf32, #tpu.memory_space<hbm>>, %arg3: memref<512xf32, #tpu.memory_space<hbm>>, %arg4: memref<512xf32, #tpu.memory_space<hbm>>, %arg5: memref<512xf32, #tpu.memory_space<hbm>>, %arg6: memref<512xf32, #tpu.memory_space<hbm>>, %arg7: memref<512xf32, #tpu.memory_space<hbm>>, %arg8: memref<512xf32, #tpu.memory_space<hbm>>, %arg9: memref<512xf32, #tpu.memory_space<hbm>>, %arg10: memref<512xf32, #tpu.memory_space<hbm>>, %arg11: memref<16xf32, #tpu.memory_space<vmem>>, %arg12: memref<16xf32, #tpu.memory_space<vmem>>, %arg13: memref<16xf32, #tpu.memory_space<vmem>>, %arg14: memref<16xf32, #tpu.memory_space<vmem>>, %arg15: memref<16xf32, #tpu.memory_space<vmem>>, %arg16: memref<16xf32, #tpu.memory_space<vmem>>, %arg17: memref<16xf32, #tpu.memory_space<vmem>>, %arg18: memref<16xf32, #tpu.memory_space<vmem>>, %arg19: memref<16xf32, #tpu.memory_space<vmem>>) attributes {dimension_semantics = [#tpu.dimension_semantics<core_parallel>, #tpu.dimension_semantics<subcore_parallel>], iteration_bounds = array<i64: 2, 16>, scalar_prefetch = 0 : i64, scratch_operands = 9 : i64, tpu.core_type = #tpu.core_type<sc_vector_subcore>, window_params = [{transform_indices = #map}, {transform_indices = #map}, {transform_indices = #map}, {transform_indices = #map}, {transform_indices = #map}, {transform_indices = #map}, {transform_indices = #map}, {transform_indices = #map}, {transform_indices = #map}]} {
    %mul3A = arith.constant 2 : i32
    %mul3A_0 = arith.muli %arg1, %mul3A : i32
    %add3A = arith.addi %mul3A_0, %arg0 : i32
    %mul3A_1 = arith.constant 16 : i32
    %mul3A_2 = arith.muli %add3A, %mul3A_1 : i32
    "tpu.region"() ({
      %run_scoped3A = tpu.sem_alloc : memref<!tpu.dma_semaphore, #tpu.memory_space<semaphore_mem>>
      %dma_start3A = tpu.memref_slice %arg2[%mul3A_2] : memref<512xf32, #tpu.memory_space<hbm>> -> memref<16xf32, #tpu.memory_space<hbm>>
      %dma_start3A_56 = tpu.memref_slice %arg2[%mul3A_2] : memref<512xf32, #tpu.memory_space<hbm>> -> memref<16xf32, #tpu.memory_space<hbm>>
      tpu.enqueue_dma source(%dma_start3A_56 : memref<16xf32, #tpu.memory_space<hbm>>) target(%arg11 : memref<16xf32, #tpu.memory_space<vmem>>) target_semaphore(%run_scoped3A : memref<!tpu.dma_semaphore, #tpu.memory_space<semaphore_mem>>)
      %dma_wait3A = tpu.memref_slice %arg2[%mul3A_2] : memref<512xf32, #tpu.memory_space<hbm>> -> memref<16xf32, #tpu.memory_space<hbm>>
      %dma_wait3A_57 = tpu.memref_slice %arg2[%mul3A_2] : memref<512xf32, #tpu.memory_space<hbm>> -> memref<16xf32, #tpu.memory_space<hbm>>
      tpu.wait_dma2 semaphore(%run_scoped3A : memref<!tpu.dma_semaphore, #tpu.memory_space<semaphore_mem>>) src(%dma_wait3A_57 : memref<16xf32, #tpu.memory_space<hbm>>) dst(%arg11 : memref<16xf32, #tpu.memory_space<vmem>>)
      tpu.yield
    }) : () -> ()
    "tpu.region"() ({
      %run_scoped3A = tpu.sem_alloc : memref<!tpu.dma_semaphore, #tpu.memory_space<semaphore_mem>>
      %dma_start3A = tpu.memref_slice %arg3[%mul3A_2] : memref<512xf32, #tpu.memory_space<hbm>> -> memref<16xf32, #tpu.memory_space<hbm>>
      %dma_start3A_56 = tpu.memref_slice %arg3[%mul3A_2] : memref<512xf32, #tpu.memory_space<hbm>> -> memref<16xf32, #tpu.memory_space<hbm>>
      tpu.enqueue_dma source(%dma_start3A_56 : memref<16xf32, #tpu.memory_space<hbm>>) target(%arg12 : memref<16xf32, #tpu.memory_space<vmem>>) target_semaphore(%run_scoped3A : memref<!tpu.dma_semaphore, #tpu.memory_space<semaphore_mem>>)
      %dma_wait3A = tpu.memref_slice %arg3[%mul3A_2] : memref<512xf32, #tpu.memory_space<hbm>> -> memref<16xf32, #tpu.memory_space<hbm>>
      %dma_wait3A_57 = tpu.memref_slice %arg3[%mul3A_2] : memref<512xf32, #tpu.memory_space<hbm>> -> memref<16xf32, #tpu.memory_space<hbm>>
      tpu.wait_dma2 semaphore(%run_scoped3A : memref<!tpu.dma_semaphore, #tpu.memory_space<semaphore_mem>>) src(%dma_wait3A_57 : memref<16xf32, #tpu.memory_space<hbm>>) dst(%arg12 : memref<16xf32, #tpu.memory_space<vmem>>)
      tpu.yield
    }) : () -> ()
    "tpu.region"() ({
      %run_scoped3A = tpu.sem_alloc : memref<!tpu.dma_semaphore, #tpu.memory_space<semaphore_mem>>
      %dma_start3A = tpu.memref_slice %arg4[%mul3A_2] : memref<512xf32, #tpu.memory_space<hbm>> -> memref<16xf32, #tpu.memory_space<hbm>>
      %dma_start3A_56 = tpu.memref_slice %arg4[%mul3A_2] : memref<512xf32, #tpu.memory_space<hbm>> -> memref<16xf32, #tpu.memory_space<hbm>>
      tpu.enqueue_dma source(%dma_start3A_56 : memref<16xf32, #tpu.memory_space<hbm>>) target(%arg13 : memref<16xf32, #tpu.memory_space<vmem>>) target_semaphore(%run_scoped3A : memref<!tpu.dma_semaphore, #tpu.memory_space<semaphore_mem>>)
      %dma_wait3A = tpu.memref_slice %arg4[%mul3A_2] : memref<512xf32, #tpu.memory_space<hbm>> -> memref<16xf32, #tpu.memory_space<hbm>>
      %dma_wait3A_57 = tpu.memref_slice %arg4[%mul3A_2] : memref<512xf32, #tpu.memory_space<hbm>> -> memref<16xf32, #tpu.memory_space<hbm>>
      tpu.wait_dma2 semaphore(%run_scoped3A : memref<!tpu.dma_semaphore, #tpu.memory_space<semaphore_mem>>) src(%dma_wait3A_57 : memref<16xf32, #tpu.memory_space<hbm>>) dst(%arg13 : memref<16xf32, #tpu.memory_space<vmem>>)
      tpu.yield
    }) : () -> ()
    "tpu.region"() ({
      %run_scoped3A = tpu.sem_alloc : memref<!tpu.dma_semaphore, #tpu.memory_space<semaphore_mem>>
      %dma_start3A = tpu.memref_slice %arg5[%mul3A_2] : memref<512xf32, #tpu.memory_space<hbm>> -> memref<16xf32, #tpu.memory_space<hbm>>
      %dma_start3A_56 = tpu.memref_slice %arg5[%mul3A_2] : memref<512xf32, #tpu.memory_space<hbm>> -> memref<16xf32, #tpu.memory_space<hbm>>
      tpu.enqueue_dma source(%dma_start3A_56 : memref<16xf32, #tpu.memory_space<hbm>>) target(%arg14 : memref<16xf32, #tpu.memory_space<vmem>>) target_semaphore(%run_scoped3A : memref<!tpu.dma_semaphore, #tpu.memory_space<semaphore_mem>>)
      %dma_wait3A = tpu.memref_slice %arg5[%mul3A_2] : memref<512xf32, #tpu.memory_space<hbm>> -> memref<16xf32, #tpu.memory_space<hbm>>
      %dma_wait3A_57 = tpu.memref_slice %arg5[%mul3A_2] : memref<512xf32, #tpu.memory_space<hbm>> -> memref<16xf32, #tpu.memory_space<hbm>>
      tpu.wait_dma2 semaphore(%run_scoped3A : memref<!tpu.dma_semaphore, #tpu.memory_space<semaphore_mem>>) src(%dma_wait3A_57 : memref<16xf32, #tpu.memory_space<hbm>>) dst(%arg14 : memref<16xf32, #tpu.memory_space<vmem>>)
      tpu.yield
    }) : () -> ()
    "tpu.region"() ({
      %run_scoped3A = tpu.sem_alloc : memref<!tpu.dma_semaphore, #tpu.memory_space<semaphore_mem>>
      %dma_start3A = tpu.memref_slice %arg6[%mul3A_2] : memref<512xf32, #tpu.memory_space<hbm>> -> memref<16xf32, #tpu.memory_space<hbm>>
      %dma_start3A_56 = tpu.memref_slice %arg6[%mul3A_2] : memref<512xf32, #tpu.memory_space<hbm>> -> memref<16xf32, #tpu.memory_space<hbm>>
      tpu.enqueue_dma source(%dma_start3A_56 : memref<16xf32, #tpu.memory_space<hbm>>) target(%arg15 : memref<16xf32, #tpu.memory_space<vmem>>) target_semaphore(%run_scoped3A : memref<!tpu.dma_semaphore, #tpu.memory_space<semaphore_mem>>)
      %dma_wait3A = tpu.memref_slice %arg6[%mul3A_2] : memref<512xf32, #tpu.memory_space<hbm>> -> memref<16xf32, #tpu.memory_space<hbm>>
      %dma_wait3A_57 = tpu.memref_slice %arg6[%mul3A_2] : memref<512xf32, #tpu.memory_space<hbm>> -> memref<16xf32, #tpu.memory_space<hbm>>
      tpu.wait_dma2 semaphore(%run_scoped3A : memref<!tpu.dma_semaphore, #tpu.memory_space<semaphore_mem>>) src(%dma_wait3A_57 : memref<16xf32, #tpu.memory_space<hbm>>) dst(%arg15 : memref<16xf32, #tpu.memory_space<vmem>>)
      tpu.yield
    }) : () -> ()
    "tpu.region"() ({
      %run_scoped3A = tpu.sem_alloc : memref<!tpu.dma_semaphore, #tpu.memory_space<semaphore_mem>>
      %dma_start3A = tpu.memref_slice %arg7[%mul3A_2] : memref<512xf32, #tpu.memory_space<hbm>> -> memref<16xf32, #tpu.memory_space<hbm>>
      %dma_start3A_56 = tpu.memref_slice %arg7[%mul3A_2] : memref<512xf32, #tpu.memory_space<hbm>> -> memref<16xf32, #tpu.memory_space<hbm>>
      tpu.enqueue_dma source(%dma_start3A_56 : memref<16xf32, #tpu.memory_space<hbm>>) target(%arg16 : memref<16xf32, #tpu.memory_space<vmem>>) target_semaphore(%run_scoped3A : memref<!tpu.dma_semaphore, #tpu.memory_space<semaphore_mem>>)
      %dma_wait3A = tpu.memref_slice %arg7[%mul3A_2] : memref<512xf32, #tpu.memory_space<hbm>> -> memref<16xf32, #tpu.memory_space<hbm>>
      %dma_wait3A_57 = tpu.memref_slice %arg7[%mul3A_2] : memref<512xf32, #tpu.memory_space<hbm>> -> memref<16xf32, #tpu.memory_space<hbm>>
      tpu.wait_dma2 semaphore(%run_scoped3A : memref<!tpu.dma_semaphore, #tpu.memory_space<semaphore_mem>>) src(%dma_wait3A_57 : memref<16xf32, #tpu.memory_space<hbm>>) dst(%arg16 : memref<16xf32, #tpu.memory_space<vmem>>)
      tpu.yield
    }) : () -> ()
    "tpu.region"() ({
      %run_scoped3A = tpu.sem_alloc : memref<!tpu.dma_semaphore, #tpu.memory_space<semaphore_mem>>
      %dma_start3A = tpu.memref_slice %arg8[%mul3A_2] : memref<512xf32, #tpu.memory_space<hbm>> -> memref<16xf32, #tpu.memory_space<hbm>>
      %dma_start3A_56 = tpu.memref_slice %arg8[%mul3A_2] : memref<512xf32, #tpu.memory_space<hbm>> -> memref<16xf32, #tpu.memory_space<hbm>>
      tpu.enqueue_dma source(%dma_start3A_56 : memref<16xf32, #tpu.memory_space<hbm>>) target(%arg17 : memref<16xf32, #tpu.memory_space<vmem>>) target_semaphore(%run_scoped3A : memref<!tpu.dma_semaphore, #tpu.memory_space<semaphore_mem>>)
      %dma_wait3A = tpu.memref_slice %arg8[%mul3A_2] : memref<512xf32, #tpu.memory_space<hbm>> -> memref<16xf32, #tpu.memory_space<hbm>>
      %dma_wait3A_57 = tpu.memref_slice %arg8[%mul3A_2] : memref<512xf32, #tpu.memory_space<hbm>> -> memref<16xf32, #tpu.memory_space<hbm>>
      tpu.wait_dma2 semaphore(%run_scoped3A : memref<!tpu.dma_semaphore, #tpu.memory_space<semaphore_mem>>) src(%dma_wait3A_57 : memref<16xf32, #tpu.memory_space<hbm>>) dst(%arg17 : memref<16xf32, #tpu.memory_space<vmem>>)
      tpu.yield
    }) : () -> ()
    "tpu.region"() ({
      %run_scoped3A = tpu.sem_alloc : memref<!tpu.dma_semaphore, #tpu.memory_space<semaphore_mem>>
      %dma_start3A = tpu.memref_slice %arg9[%mul3A_2] : memref<512xf32, #tpu.memory_space<hbm>> -> memref<16xf32, #tpu.memory_space<hbm>>
      %dma_start3A_56 = tpu.memref_slice %arg9[%mul3A_2] : memref<512xf32, #tpu.memory_space<hbm>> -> memref<16xf32, #tpu.memory_space<hbm>>
      tpu.enqueue_dma source(%dma_start3A_56 : memref<16xf32, #tpu.memory_space<hbm>>) target(%arg18 : memref<16xf32, #tpu.memory_space<vmem>>) target_semaphore(%run_scoped3A : memref<!tpu.dma_semaphore, #tpu.memory_space<semaphore_mem>>)
      %dma_wait3A = tpu.memref_slice %arg9[%mul3A_2] : memref<512xf32, #tpu.memory_space<hbm>> -> memref<16xf32, #tpu.memory_space<hbm>>
      %dma_wait3A_57 = tpu.memref_slice %arg9[%mul3A_2] : memref<512xf32, #tpu.memory_space<hbm>> -> memref<16xf32, #tpu.memory_space<hbm>>
      tpu.wait_dma2 semaphore(%run_scoped3A : memref<!tpu.dma_semaphore, #tpu.memory_space<semaphore_mem>>) src(%dma_wait3A_57 : memref<16xf32, #tpu.memory_space<hbm>>) dst(%arg18 : memref<16xf32, #tpu.memory_space<vmem>>)
      tpu.yield
    }) : () -> ()
    %get3A = arith.constant 0 : index
    %get3A_3 = tpu.vector_load %arg11[%get3A] {strides = array<i32>} : memref<16xf32, #tpu.memory_space<vmem>>, vector<16xf32>,
    %get3A_4 = vector.shape_cast %get3A_3 : vector<16xf32> to vector<16xf32>
    %get3A_5 = arith.constant 0 : index
    %get3A_6 = tpu.vector_load %arg12[%get3A_5] {strides = array<i32>} : memref<16xf32, #tpu.memory_space<vmem>>, vector<16xf32>,
    %get3A_7 = vector.shape_cast %get3A_6 : vector<16xf32> to vector<16xf32>
    %get3A_8 = arith.constant 0 : index
    %get3A_9 = tpu.vector_load %arg13[%get3A_8] {strides = array<i32>} : memref<16xf32, #tpu.memory_space<vmem>>, vector<16xf32>,
    %get3A_10 = vector.shape_cast %get3A_9 : vector<16xf32> to vector<16xf32>
    %get3A_11 = arith.constant 0 : index
    %get3A_12 = tpu.vector_load %arg14[%get3A_11] {strides = array<i32>} : memref<16xf32, #tpu.memory_space<vmem>>, vector<16xf32>,
    %get3A_13 = vector.shape_cast %get3A_12 : vector<16xf32> to vector<16xf32>
    %get3A_14 = arith.constant 0 : index
    %get3A_15 = tpu.vector_load %arg15[%get3A_14] {strides = array<i32>} : memref<16xf32, #tpu.memory_space<vmem>>, vector<16xf32>,
    %get3A_16 = vector.shape_cast %get3A_15 : vector<16xf32> to vector<16xf32>
    %get3A_17 = arith.constant 0 : index
    %get3A_18 = tpu.vector_load %arg16[%get3A_17] {strides = array<i32>} : memref<16xf32, #tpu.memory_space<vmem>>, vector<16xf32>,
    %get3A_19 = vector.shape_cast %get3A_18 : vector<16xf32> to vector<16xf32>
    %get3A_20 = arith.constant 0 : index
    %get3A_21 = tpu.vector_load %arg17[%get3A_20] {strides = array<i32>} : memref<16xf32, #tpu.memory_space<vmem>>, vector<16xf32>,
    %get3A_22 = vector.shape_cast %get3A_21 : vector<16xf32> to vector<16xf32>
    %get3A_23 = arith.constant 0 : index
    %get3A_24 = tpu.vector_load %arg18[%get3A_23] {strides = array<i32>} : memref<16xf32, #tpu.memory_space<vmem>>, vector<16xf32>,
    %get3A_25 = vector.shape_cast %get3A_24 : vector<16xf32> to vector<16xf32>
    %sub3A = arith.subf %get3A_4, %get3A_7 : vector<16xf32>
    %exp3A = math.exp %sub3A : vector<16xf32>
    %div3A = arith.divf %exp3A, %get3A_10 : vector<16xf32>
    %sub3A_26 = arith.subf %get3A_13, %get3A_7 : vector<16xf32>
    %exp3A_27 = math.exp %sub3A_26 : vector<16xf32>
    %sub3A_28 = arith.subf %get3A_16, %get3A_7 : vector<16xf32>
    %exp3A_29 = math.exp %sub3A_28 : vector<16xf32>
    %sub3A_30 = arith.subf %get3A_19, %get3A_7 : vector<16xf32>
    %exp3A_31 = math.exp %sub3A_30 : vector<16xf32>
    %sub3A_32 = arith.subf %get3A_22, %get3A_7 : vector<16xf32>
    %exp3A_33 = math.exp %sub3A_32 : vector<16xf32>
    %sub3A_34 = arith.subf %get3A_25, %get3A_7 : vector<16xf32>
    %exp3A_35 = math.exp %sub3A_34 : vector<16xf32>
    %add3A_36 = arith.addf %exp3A_27, %exp3A_29 : vector<16xf32>
    %add3A_37 = arith.addf %add3A_36, %exp3A_31 : vector<16xf32>
    %add3A_38 = arith.addf %add3A_37, %exp3A_33 : vector<16xf32>
    %add3A_39 = arith.addf %add3A_38, %exp3A_35 : vector<16xf32>
    %div3A_40 = arith.divf %add3A_39, %get3A_10 : vector<16xf32>
    %ge3A = arith.cmpf oge, %get3A_4, %get3A_25 : vector<16xf32>
    %jit3A = arith.constant 1.000000e+00 : f32
    %jit3A_41 = arith.constant 0.000000e+00 : f32
    %broadcast_in_dim3A = vector.broadcast %jit3A : f32 to vector<16xf32>
    %broadcast_in_dim3A_42 = vector.broadcast %jit3A_41 : f32 to vector<16xf32>
    %select_n3A = arith.select %ge3A, %broadcast_in_dim3A, %broadcast_in_dim3A_42 : vector<16xi1>, vector<16xf32>
    %sub3A_43 = arith.constant 5.000000e+00 : f32
    %sub3A_44 = vector.broadcast %sub3A_43 : f32 to vector<16xf32>
    %sub3A_45 = arith.subf %sub3A_44, %select_n3A : vector<16xf32>
    %mul3A_46 = arith.mulf %select_n3A, %div3A : vector<16xf32>
    %sub3A_47 = arith.subf %div3A_40, %mul3A_46 : vector<16xf32>
    %mul3A_48 = arith.mulf %sub3A_45, %div3A : vector<16xf32>
    %sub3A_49 = arith.subf %mul3A_48, %sub3A_47 : vector<16xf32>
    %neg3A = arith.constant 0.000000e+00 : f32
    %neg3A_50 = vector.broadcast %neg3A : f32 to vector<16xf32>
    %neg3A_51 = arith.subf %neg3A_50, %sub3A_49 : vector<16xf32>
    %div3A_52 = arith.divf %neg3A_51, %sub3A_45 : vector<16xf32>
    %swap3A = arith.constant 0 : index
    %swap3A_53 = tpu.vector_load %arg19[%swap3A] {strides = array<i32>} : memref<16xf32, #tpu.memory_space<vmem>>, vector<16xf32>,
    %swap3A_54 = vector.shape_cast %swap3A_53 : vector<16xf32> to vector<16xf32>
    %swap3A_55 = vector.shape_cast %div3A_52 : vector<16xf32> to vector<16xf32>
    tpu.vector_store %arg19[%swap3A], %swap3A_55 {strides = array<i32>} : memref<16xf32, #tpu.memory_space<vmem>>, vector<16xf32>,
    "tpu.region"() ({
      %run_scoped3A = tpu.sem_alloc : memref<!tpu.dma_semaphore, #tpu.memory_space<semaphore_mem>>
      %dma_start3A = tpu.memref_slice %arg10[%mul3A_2] : memref<512xf32, #tpu.memory_space<hbm>> -> memref<16xf32, #tpu.memory_space<hbm>>
      %dma_start3A_56 = tpu.memref_slice %arg10[%mul3A_2] : memref<512xf32, #tpu.memory_space<hbm>> -> memref<16xf32, #tpu.memory_space<hbm>>
      tpu.enqueue_dma source(%arg19 : memref<16xf32, #tpu.memory_space<vmem>>) target(%dma_start3A_56 : memref<16xf32, #tpu.memory_space<hbm>>) target_semaphore(%run_scoped3A : memref<!tpu.dma_semaphore, #tpu.memory_space<semaphore_mem>>)
      %dma_wait3A = tpu.memref_slice %arg10[%mul3A_2] : memref<512xf32, #tpu.memory_space<hbm>> -> memref<16xf32, #tpu.memory_space<hbm>>
      %dma_wait3A_57 = tpu.memref_slice %arg10[%mul3A_2] : memref<512xf32, #tpu.memory_space<hbm>> -> memref<16xf32, #tpu.memory_space<hbm>>
      tpu.wait_dma2 semaphore(%run_scoped3A : memref<!tpu.dma_semaphore, #tpu.memory_space<semaphore_mem>>) src(%arg19 : memref<16xf32, #tpu.memory_space<vmem>>) dst(%dma_wait3A_57 : memref<16xf32, #tpu.memory_space<hbm>>)
      tpu.yield
    }) : () -> ()
    return
  }
}

module attributes {stable_mosaic.version = 14 : i64} {
  func.func @_mean_body(%arg0: i32, %arg1: memref<4x1x128xf32, #tpu.memory_space<vmem>>, %arg2: memref<1x1xf32, #tpu.memory_space<vmem>>) attributes {dimension_semantics = [#tpu.dimension_semantics<arbitrary>], iteration_bounds = array<i64: 1>, scalar_prefetch = 0 : i64, scratch_operands = 0 : i64, tpu.core_type = #tpu.core_type<tc>, window_params = [{pipeline_mode = #tpu.pipeline_mode<synchronous>, transform_indices = @transform_0, window_bounds = array<i64: 4, 1, 128>}, {pipeline_mode = #tpu.pipeline_mode<synchronous>, transform_indices = @transform_1, window_bounds = array<i64: 1, 1>}]} {
    %get3A = arith.constant 0 : index
    %get3A_0 = arith.constant 0 : index
    %get3A_1 = arith.constant 0 : index
    %get3A_2 = vector.load %arg1[%get3A, %get3A_0, %get3A_1] : memref<4x1x128xf32, #tpu.memory_space<vmem>>, vector<4x1x128xf32>
    %reduce_sum3A = vector.shape_cast %get3A_2 : vector<4x1x128xf32> to vector<1x4x1x128xf32>
    %reduce_sum3A_3 = arith.constant dense<0.000000e+00> : vector<1xf32>
    %reduce_sum3A_4 = vector.multi_reduction <add>, %reduce_sum3A, %reduce_sum3A_3 [1, 2, 3] : vector<1x4x1x128xf32> to vector<1xf32>
    %reduce_sum3A_5 = vector.shape_cast %reduce_sum3A_4 : vector<1xf32> to vector<1x1x1x1xf32>
    %reduce_sum3A_6 = vector.extract %reduce_sum3A_5[0, 0, 0, 0] : f32 from vector<1x1x1x1xf32>
    %mul3A = arith.constant 0.001953125 : f32
    %mul3A_7 = arith.mulf %reduce_sum3A_6, %mul3A : f32
    %broadcast_in_dim3A = vector.broadcast %mul3A_7 : f32 to vector<1x1xf32>
    %swap3A = arith.constant 0 : index
    %swap3A_8 = arith.constant 0 : index
    %swap3A_9 = vector.load %arg2[%swap3A, %swap3A_8] : memref<1x1xf32, #tpu.memory_space<vmem>>, vector<1x1xf32>
    tpu.vector_store %arg2[%swap3A, %swap3A_8], %broadcast_in_dim3A {strides = array<i32>} : memref<1x1xf32, #tpu.memory_space<vmem>>, vector<1x1xf32>,
    return
  }
  func.func @transform_0(%arg0: i32) -> (i32, i32, i32) {
    %c0_i32 = arith.constant 0 : i32
    %c0_i32_0 = arith.constant 0 : i32
    %c0_i32_1 = arith.constant 0 : i32
    %c0_i32_2 = arith.constant 0 : i32
    return %c0_i32, %c0_i32_0, %c0_i32_1 : i32, i32, i32
  }
  func.func @transform_1(%arg0: i32) -> (i32, i32) {
    %c0_i32 = arith.constant 0 : i32
    %c0_i32_0 = arith.constant 0 : i32
    %c0_i32_1 = arith.constant 0 : i32
    return %c0_i32, %c0_i32_0 : i32, i32
  }
}

module attributes {stable_mosaic.version = 14 : i64} {
  func.func @body(%arg0: i32, %arg1: memref<16x100096xf32, #tpu.memory_space<vmem>>, %arg2: memref<512xi32, #tpu.memory_space<smem>>, %arg3: memref<1x16x1xf32, #tpu.memory_space<vmem>>, %arg4: memref<1x16x1xf32, #tpu.memory_space<vmem>>, %arg5: memref<1x16x1xf32, #tpu.memory_space<vmem>>, %arg6: memref<1x16x1xf32, #tpu.memory_space<vmem>>, %arg7: memref<1x16x1xf32, #tpu.memory_space<vmem>>, %arg8: memref<1x16x1xf32, #tpu.memory_space<vmem>>, %arg9: memref<1x16x1xf32, #tpu.memory_space<vmem>>, %arg10: memref<1x16x1xf32, #tpu.memory_space<vmem>>) attributes {dimension_semantics = [#tpu.dimension_semantics<arbitrary>], iteration_bounds = array<i64: 32>, scalar_prefetch = 0 : i64, scratch_operands = 0 : i64, tpu.core_type = #tpu.core_type<tc>, window_params = [{transform_indices = @transform_0, window_bounds = array<i64: 16, 100096>}, {transform_indices = @transform_1, window_bounds = array<i64: 512>}, {transform_indices = @transform_2, window_bounds = array<i64: 1, 16, 1>}, {transform_indices = @transform_3, window_bounds = array<i64: 1, 16, 1>}, {transform_indices = @transform_4, window_bounds = array<i64: 1, 16, 1>}, {transform_indices = @transform_5, window_bounds = array<i64: 1, 16, 1>}, {transform_indices = @transform_6, window_bounds = array<i64: 1, 16, 1>}, {transform_indices = @transform_7, window_bounds = array<i64: 1, 16, 1>}, {transform_indices = @transform_8, window_bounds = array<i64: 1, 16, 1>}, {transform_indices = @transform_9, window_bounds = array<i64: 1, 16, 1>}]} {
    %iota3A = tpu.iota {dimensions = array<i32: 1>} : vector<16x128xi32>
    %broadcast_in_dim3A = arith.constant -3.40282347E+38 : f32
    %broadcast_in_dim3A_0 = vector.broadcast %broadcast_in_dim3A : f32 to vector<16x128xf32>
    %broadcast_in_dim3A_1 = arith.constant -3.40282347E+38 : f32
    %broadcast_in_dim3A_2 = vector.broadcast %broadcast_in_dim3A_1 : f32 to vector<16x128xf32>
    %broadcast_in_dim3A_3 = arith.constant -3.40282347E+38 : f32
    %broadcast_in_dim3A_4 = vector.broadcast %broadcast_in_dim3A_3 : f32 to vector<16x128xf32>
    %broadcast_in_dim3A_5 = arith.constant -3.40282347E+38 : f32
    %broadcast_in_dim3A_6 = vector.broadcast %broadcast_in_dim3A_5 : f32 to vector<16x128xf32>
    %broadcast_in_dim3A_7 = arith.constant -3.40282347E+38 : f32
    %broadcast_in_dim3A_8 = vector.broadcast %broadcast_in_dim3A_7 : f32 to vector<16x128xf32>
    %broadcast_in_dim3A_9 = arith.constant -3.40282347E+38 : f32
    %broadcast_in_dim3A_10 = vector.broadcast %broadcast_in_dim3A_9 : f32 to vector<16x128xf32>
    %broadcast_in_dim3A_11 = arith.constant -3.40282347E+38 : f32
    %broadcast_in_dim3A_12 = vector.broadcast %broadcast_in_dim3A_11 : f32 to vector<16x128xf32>
    %broadcast_in_dim3A_13 = arith.constant -3.40282347E+38 : f32
    %broadcast_in_dim3A_14 = vector.broadcast %broadcast_in_dim3A_13 : f32 to vector<16x128xf32>
    %broadcast_in_dim3A_15 = arith.constant -3.40282347E+38 : f32
    %broadcast_in_dim3A_16 = vector.broadcast %broadcast_in_dim3A_15 : f32 to vector<16x128xf32>
    %broadcast_in_dim3A_17 = arith.constant -3.40282347E+38 : f32
    %broadcast_in_dim3A_18 = vector.broadcast %broadcast_in_dim3A_17 : f32 to vector<16x128xf32>
    %broadcast_in_dim3A_19 = arith.constant -3.40282347E+38 : f32
    %broadcast_in_dim3A_20 = vector.broadcast %broadcast_in_dim3A_19 : f32 to vector<16x128xf32>
    %broadcast_in_dim3A_21 = arith.constant -3.40282347E+38 : f32
    %broadcast_in_dim3A_22 = vector.broadcast %broadcast_in_dim3A_21 : f32 to vector<16x128xf32>
    %broadcast_in_dim3A_23 = arith.constant -3.40282347E+38 : f32
    %broadcast_in_dim3A_24 = vector.broadcast %broadcast_in_dim3A_23 : f32 to vector<16x128xf32>
    %broadcast_in_dim3A_25 = arith.constant -3.40282347E+38 : f32
    %broadcast_in_dim3A_26 = vector.broadcast %broadcast_in_dim3A_25 : f32 to vector<16x128xf32>
    %broadcast_in_dim3A_27 = arith.constant -3.40282347E+38 : f32
    %broadcast_in_dim3A_28 = vector.broadcast %broadcast_in_dim3A_27 : f32 to vector<16x128xf32>
    %broadcast_in_dim3A_29 = arith.constant -3.40282347E+38 : f32
    %broadcast_in_dim3A_30 = vector.broadcast %broadcast_in_dim3A_29 : f32 to vector<16x128xf32>
    %broadcast_in_dim3A_31 = arith.constant -3.40282347E+38 : f32
    %broadcast_in_dim3A_32 = vector.broadcast %broadcast_in_dim3A_31 : f32 to vector<16x128xf32>
    %broadcast_in_dim3A_33 = arith.constant -3.40282347E+38 : f32
    %broadcast_in_dim3A_34 = vector.broadcast %broadcast_in_dim3A_33 : f32 to vector<16x128xf32>
    %broadcast_in_dim3A_35 = arith.constant -3.40282347E+38 : f32
    %broadcast_in_dim3A_36 = vector.broadcast %broadcast_in_dim3A_35 : f32 to vector<16x128xf32>
    %broadcast_in_dim3A_37 = arith.constant -3.40282347E+38 : f32
    %broadcast_in_dim3A_38 = vector.broadcast %broadcast_in_dim3A_37 : f32 to vector<16x128xf32>
    %broadcast_in_dim3A_39 = arith.constant -3.40282347E+38 : f32
    %broadcast_in_dim3A_40 = vector.broadcast %broadcast_in_dim3A_39 : f32 to vector<16x128xf32>
    %scan3A = arith.constant 0 : i32
    %scan3A_41 = arith.constant 130 : i32
    %scan3A_42 = arith.addi %scan3A, %scan3A_41 : i32
    %scan3A_43 = arith.constant 1 : i32
    %scan3A_44:21 = scf.for %scan3A_1099 = %scan3A to %scan3A_42 step %scan3A_43 iter_args(%scan3A_1100 = %broadcast_in_dim3A_0, %scan3A_1101 = %broadcast_in_dim3A_2, %scan3A_1102 = %broadcast_in_dim3A_4, %scan3A_1103 = %broadcast_in_dim3A_6, %scan3A_1104 = %broadcast_in_dim3A_8, %scan3A_1105 = %broadcast_in_dim3A_10, %scan3A_1106 = %broadcast_in_dim3A_12, %scan3A_1107 = %broadcast_in_dim3A_14, %scan3A_1108 = %broadcast_in_dim3A_16, %scan3A_1109 = %broadcast_in_dim3A_18, %scan3A_1110 = %broadcast_in_dim3A_20, %scan3A_1111 = %broadcast_in_dim3A_22, %scan3A_1112 = %broadcast_in_dim3A_24, %scan3A_1113 = %broadcast_in_dim3A_26, %scan3A_1114 = %broadcast_in_dim3A_28, %scan3A_1115 = %broadcast_in_dim3A_30, %scan3A_1116 = %broadcast_in_dim3A_32, %scan3A_1117 = %broadcast_in_dim3A_34, %scan3A_1118 = %broadcast_in_dim3A_36, %scan3A_1119 = %broadcast_in_dim3A_38, %scan3A_1120 = %broadcast_in_dim3A_40) -> (vector<16x128xf32>, vector<16x128xf32>, vector<16x128xf32>, vector<16x128xf32>, vector<16x128xf32>, vector<16x128xf32>, vector<16x128xf32>, vector<16x128xf32>, vector<16x128xf32>, vector<16x128xf32>, vector<16x128xf32>, vector<16x128xf32>, vector<16x128xf32>, vector<16x128xf32>, vector<16x128xf32>, vector<16x128xf32>, vector<16x128xf32>, vector<16x128xf32>, vector<16x128xf32>, vector<16x128xf32>, vector<16x128xf32>)  : i32 {
      %mul3A_1121 = arith.constant 768 : i32
      %mul3A_1122 = arith.muli %scan3A_1099, %mul3A_1121 : i32
      %multiple_of3A_1123 = tpu.assume_multiple %mul3A_1122, 128 : i32
      %add3A_1124 = arith.constant 0 : i32
      %add3A_1125 = arith.addi %multiple_of3A_1123, %add3A_1124 : i32
      %get3A_1126 = arith.constant 0 : index
      %get3A_1127 = arith.index_cast %add3A_1125 : i32 to index
      %get3A_1128 = vector.load %arg1[%get3A_1126, %get3A_1127] : memref<16x100096xf32, #tpu.memory_space<vmem>>, vector<16x128xf32>
      %add3A_1129 = arith.constant 128 : i32
      %add3A_1130 = arith.addi %multiple_of3A_1123, %add3A_1129 : i32
      %get3A_1131 = arith.constant 0 : index
      %get3A_1132 = arith.index_cast %add3A_1130 : i32 to index
      %get3A_1133 = vector.load %arg1[%get3A_1131, %get3A_1132] : memref<16x100096xf32, #tpu.memory_space<vmem>>, vector<16x128xf32>
      %max3A_1134 = arith.maximumf %get3A_1128, %get3A_1133 : vector<16x128xf32>
      %min3A_1135 = arith.minimumf %get3A_1128, %get3A_1133 : vector<16x128xf32>
      %max3A_1136 = arith.maximumf %scan3A_1100, %max3A_1134 : vector<16x128xf32>
      %min3A_1137 = arith.minimumf %scan3A_1100, %max3A_1134 : vector<16x128xf32>
      %max3A_1138 = arith.maximumf %scan3A_1101, %min3A_1137 : vector<16x128xf32>
      %min3A_1139 = arith.minimumf %scan3A_1101, %min3A_1137 : vector<16x128xf32>
      %max3A_1140 = arith.maximumf %scan3A_1102, %min3A_1139 : vector<16x128xf32>
      %min3A_1141 = arith.minimumf %scan3A_1102, %min3A_1139 : vector<16x128xf32>
      %max3A_1142 = arith.maximumf %scan3A_1103, %min3A_1141 : vector<16x128xf32>
      %min3A_1143 = arith.minimumf %scan3A_1103, %min3A_1141 : vector<16x128xf32>
      %max3A_1144 = arith.maximumf %scan3A_1104, %min3A_1143 : vector<16x128xf32>
      %max3A_1145 = arith.maximumf %scan3A_1105, %min3A_1135 : vector<16x128xf32>
      %min3A_1146 = arith.minimumf %scan3A_1105, %min3A_1135 : vector<16x128xf32>
      %max3A_1147 = arith.maximumf %scan3A_1106, %min3A_1146 : vector<16x128xf32>
      %add3A_1148 = arith.constant 256 : i32
      %add3A_1149 = arith.addi %multiple_of3A_1123, %add3A_1148 : i32
      %get3A_1150 = arith.constant 0 : index
      %get3A_1151 = arith.index_cast %add3A_1149 : i32 to index
      %get3A_1152 = vector.load %arg1[%get3A_1150, %get3A_1151] : memref<16x100096xf32, #tpu.memory_space<vmem>>, vector<16x128xf32>
      %add3A_1153 = arith.constant 384 : i32
      %add3A_1154 = arith.addi %multiple_of3A_1123, %add3A_1153 : i32
      %get3A_1155 = arith.constant 0 : index
      %get3A_1156 = arith.index_cast %add3A_1154 : i32 to index
      %get3A_1157 = vector.load %arg1[%get3A_1155, %get3A_1156] : memref<16x100096xf32, #tpu.memory_space<vmem>>, vector<16x128xf32>
      %max3A_1158 = arith.maximumf %get3A_1152, %get3A_1157 : vector<16x128xf32>
      %min3A_1159 = arith.minimumf %get3A_1152, %get3A_1157 : vector<16x128xf32>
      %max3A_1160 = arith.maximumf %scan3A_1107, %max3A_1158 : vector<16x128xf32>
      %min3A_1161 = arith.minimumf %scan3A_1107, %max3A_1158 : vector<16x128xf32>
      %max3A_1162 = arith.maximumf %scan3A_1108, %min3A_1161 : vector<16x128xf32>
      %min3A_1163 = arith.minimumf %scan3A_1108, %min3A_1161 : vector<16x128xf32>
      %max3A_1164 = arith.maximumf %scan3A_1109, %min3A_1163 : vector<16x128xf32>
      %min3A_1165 = arith.minimumf %scan3A_1109, %min3A_1163 : vector<16x128xf32>
      %max3A_1166 = arith.maximumf %scan3A_1110, %min3A_1165 : vector<16x128xf32>
      %min3A_1167 = arith.minimumf %scan3A_1110, %min3A_1165 : vector<16x128xf32>
      %max3A_1168 = arith.maximumf %scan3A_1111, %min3A_1167 : vector<16x128xf32>
      %max3A_1169 = arith.maximumf %scan3A_1112, %min3A_1159 : vector<16x128xf32>
      %min3A_1170 = arith.minimumf %scan3A_1112, %min3A_1159 : vector<16x128xf32>
      %max3A_1171 = arith.maximumf %scan3A_1113, %min3A_1170 : vector<16x128xf32>
      %add3A_1172 = arith.constant 512 : i32
      %add3A_1173 = arith.addi %multiple_of3A_1123, %add3A_1172 : i32
      %get3A_1174 = arith.constant 0 : index
      %get3A_1175 = arith.index_cast %add3A_1173 : i32 to index
      %get3A_1176 = vector.load %arg1[%get3A_1174, %get3A_1175] : memref<16x100096xf32, #tpu.memory_space<vmem>>, vector<16x128xf32>
      %add3A_1177 = arith.constant 640 : i32
      %add3A_1178 = arith.addi %multiple_of3A_1123, %add3A_1177 : i32
      %get3A_1179 = arith.constant 0 : index
      %get3A_1180 = arith.index_cast %add3A_1178 : i32 to index
      %get3A_1181 = vector.load %arg1[%get3A_1179, %get3A_1180] : memref<16x100096xf32, #tpu.memory_space<vmem>>, vector<16x128xf32>
      %max3A_1182 = arith.maximumf %get3A_1176, %get3A_1181 : vector<16x128xf32>
      %min3A_1183 = arith.minimumf %get3A_1176, %get3A_1181 : vector<16x128xf32>
      %max3A_1184 = arith.maximumf %scan3A_1114, %max3A_1182 : vector<16x128xf32>
      %min3A_1185 = arith.minimumf %scan3A_1114, %max3A_1182 : vector<16x128xf32>
      %max3A_1186 = arith.maximumf %scan3A_1115, %min3A_1185 : vector<16x128xf32>
      %min3A_1187 = arith.minimumf %scan3A_1115, %min3A_1185 : vector<16x128xf32>
      %max3A_1188 = arith.maximumf %scan3A_1116, %min3A_1187 : vector<16x128xf32>
      %min3A_1189 = arith.minimumf %scan3A_1116, %min3A_1187 : vector<16x128xf32>
      %max3A_1190 = arith.maximumf %scan3A_1117, %min3A_1189 : vector<16x128xf32>
      %min3A_1191 = arith.minimumf %scan3A_1117, %min3A_1189 : vector<16x128xf32>
      %max3A_1192 = arith.maximumf %scan3A_1118, %min3A_1191 : vector<16x128xf32>
      %max3A_1193 = arith.maximumf %scan3A_1119, %min3A_1183 : vector<16x128xf32>
      %min3A_1194 = arith.minimumf %scan3A_1119, %min3A_1183 : vector<16x128xf32>
      %max3A_1195 = arith.maximumf %scan3A_1120, %min3A_1194 : vector<16x128xf32>
      scf.yield %max3A_1136, %max3A_1138, %max3A_1140, %max3A_1142, %max3A_1144, %max3A_1145, %max3A_1147, %max3A_1160, %max3A_1162, %max3A_1164, %max3A_1166, %max3A_1168, %max3A_1169, %max3A_1171, %max3A_1184, %max3A_1186, %max3A_1188, %max3A_1190, %max3A_1192, %max3A_1193, %max3A_1195 : vector<16x128xf32>, vector<16x128xf32>, vector<16x128xf32>, vector<16x128xf32>, vector<16x128xf32>, vector<16x128xf32>, vector<16x128xf32>, vector<16x128xf32>, vector<16x128xf32>, vector<16x128xf32>, vector<16x128xf32>, vector<16x128xf32>, vector<16x128xf32>, vector<16x128xf32>, vector<16x128xf32>, vector<16x128xf32>, vector<16x128xf32>, vector<16x128xf32>, vector<16x128xf32>, vector<16x128xf32>, vector<16x128xf32>
    }
    %scan3A_45 = arith.constant 130 : i32
    %get3A = arith.constant 0 : index
    %get3A_46 = arith.constant 99840 : index
    %get3A_47 = vector.load %arg1[%get3A, %get3A_46] : memref<16x100096xf32, #tpu.memory_space<vmem>>, vector<16x128xf32>
    %max3A = arith.maximumf %scan3A_44#0, %get3A_47 : vector<16x128xf32>
    %min3A = arith.minimumf %scan3A_44#0, %get3A_47 : vector<16x128xf32>
    %max3A_48 = arith.maximumf %scan3A_44#1, %min3A : vector<16x128xf32>
    %min3A_49 = arith.minimumf %scan3A_44#1, %min3A : vector<16x128xf32>
    %max3A_50 = arith.maximumf %scan3A_44#2, %min3A_49 : vector<16x128xf32>
    %min3A_51 = arith.minimumf %scan3A_44#2, %min3A_49 : vector<16x128xf32>
    %max3A_52 = arith.maximumf %scan3A_44#3, %min3A_51 : vector<16x128xf32>
    %min3A_53 = arith.minimumf %scan3A_44#3, %min3A_51 : vector<16x128xf32>
    %max3A_54 = arith.maximumf %scan3A_44#4, %min3A_53 : vector<16x128xf32>
    %get3A_55 = arith.constant 0 : index
    %get3A_56 = arith.constant 99968 : index
    %get3A_57 = vector.load %arg1[%get3A_55, %get3A_56] : memref<16x100096xf32, #tpu.memory_space<vmem>>, vector<16x128xf32>
    %lt3A = arith.constant 32 : i32
    %lt3A_58 = vector.broadcast %lt3A : i32 to vector<16x128xi32>
    %lt3A_59 = arith.cmpi slt, %iota3A, %lt3A_58 : vector<16x128xi32>
    %jit3A = arith.constant -3.40282347E+38 : f32
    %broadcast_in_dim3A_60 = vector.broadcast %jit3A : f32 to vector<16x128xf32>
    %select_n3A = arith.select %lt3A_59, %get3A_57, %broadcast_in_dim3A_60 : vector<16x128xi1>, vector<16x128xf32>
    %max3A_61 = arith.maximumf %scan3A_44#7, %select_n3A : vector<16x128xf32>
    %min3A_62 = arith.minimumf %scan3A_44#7, %select_n3A : vector<16x128xf32>
    %max3A_63 = arith.maximumf %scan3A_44#8, %min3A_62 : vector<16x128xf32>
    %min3A_64 = arith.minimumf %scan3A_44#8, %min3A_62 : vector<16x128xf32>
    %max3A_65 = arith.maximumf %scan3A_44#9, %min3A_64 : vector<16x128xf32>
    %min3A_66 = arith.minimumf %scan3A_44#9, %min3A_64 : vector<16x128xf32>
    %max3A_67 = arith.maximumf %scan3A_44#10, %min3A_66 : vector<16x128xf32>
    %min3A_68 = arith.minimumf %scan3A_44#10, %min3A_66 : vector<16x128xf32>
    %max3A_69 = arith.maximumf %scan3A_44#11, %min3A_68 : vector<16x128xf32>
    %max3A_70 = arith.maximumf %max3A, %max3A_61 : vector<16x128xf32>
    %max3A_71 = arith.maximumf %max3A_70, %scan3A_44#14 : vector<16x128xf32>
    %max3A_72 = arith.maximumf %max3A, %max3A_48 : vector<16x128xf32>
    %max3A_73 = arith.maximumf %max3A_72, %max3A_50 : vector<16x128xf32>
    %max3A_74 = arith.maximumf %max3A_73, %max3A_52 : vector<16x128xf32>
    %max3A_75 = arith.maximumf %max3A_74, %max3A_54 : vector<16x128xf32>
    %max3A_76 = arith.maximumf %max3A_75, %scan3A_44#5 : vector<16x128xf32>
    %max3A_77 = arith.maximumf %max3A_76, %scan3A_44#6 : vector<16x128xf32>
    %max3A_78 = arith.maximumf %max3A_77, %max3A_61 : vector<16x128xf32>
    %max3A_79 = arith.maximumf %max3A_78, %max3A_63 : vector<16x128xf32>
    %max3A_80 = arith.maximumf %max3A_79, %max3A_65 : vector<16x128xf32>
    %max3A_81 = arith.maximumf %max3A_80, %max3A_67 : vector<16x128xf32>
    %max3A_82 = arith.maximumf %max3A_81, %max3A_69 : vector<16x128xf32>
    %max3A_83 = arith.maximumf %max3A_82, %scan3A_44#12 : vector<16x128xf32>
    %max3A_84 = arith.maximumf %max3A_83, %scan3A_44#13 : vector<16x128xf32>
    %max3A_85 = arith.maximumf %max3A_84, %scan3A_44#14 : vector<16x128xf32>
    %max3A_86 = arith.maximumf %max3A_85, %scan3A_44#15 : vector<16x128xf32>
    %max3A_87 = arith.maximumf %max3A_86, %scan3A_44#16 : vector<16x128xf32>
    %max3A_88 = arith.maximumf %max3A_87, %scan3A_44#17 : vector<16x128xf32>
    %max3A_89 = arith.maximumf %max3A_88, %scan3A_44#18 : vector<16x128xf32>
    %max3A_90 = arith.maximumf %max3A_89, %scan3A_44#19 : vector<16x128xf32>
    %max3A_91 = arith.maximumf %max3A_90, %scan3A_44#20 : vector<16x128xf32>
    %reduce_max3A = arith.constant dense<0xFF800000> : vector<16xf32>
    %reduce_max3A_92 = vector.multi_reduction <maximumf>, %max3A_91, %reduce_max3A [1] : vector<16x128xf32> to vector<16xf32>
    %broadcast_in_dim3A_93 = vector.shape_cast %reduce_max3A_92 : vector<16xf32> to vector<16x1xf32>
    %eq3A = vector.broadcast %broadcast_in_dim3A_93 : vector<16x1xf32> to vector<16x128xf32>
    %eq3A_94 = arith.cmpf oeq, %max3A, %eq3A : vector<16x128xf32>
    %jit3A_95 = arith.constant -3.40282347E+38 : f32
    %broadcast_in_dim3A_96 = vector.broadcast %jit3A_95 : f32 to vector<16x128xf32>
    %select_n3A_97 = arith.select %eq3A_94, %broadcast_in_dim3A_96, %max3A : vector<16x128xi1>, vector<16x128xf32>
    %eq3A_98 = vector.broadcast %broadcast_in_dim3A_93 : vector<16x1xf32> to vector<16x128xf32>
    %eq3A_99 = arith.cmpf oeq, %max3A_48, %eq3A_98 : vector<16x128xf32>
    %jit3A_100 = arith.constant -3.40282347E+38 : f32
    %broadcast_in_dim3A_101 = vector.broadcast %jit3A_100 : f32 to vector<16x128xf32>
    %select_n3A_102 = arith.select %eq3A_99, %broadcast_in_dim3A_101, %max3A_48 : vector<16x128xi1>, vector<16x128xf32>
    %eq3A_103 = vector.broadcast %broadcast_in_dim3A_93 : vector<16x1xf32> to vector<16x128xf32>
    %eq3A_104 = arith.cmpf oeq, %max3A_50, %eq3A_103 : vector<16x128xf32>
    %jit3A_105 = arith.constant -3.40282347E+38 : f32
    %broadcast_in_dim3A_106 = vector.broadcast %jit3A_105 : f32 to vector<16x128xf32>
    %select_n3A_107 = arith.select %eq3A_104, %broadcast_in_dim3A_106, %max3A_50 : vector<16x128xi1>, vector<16x128xf32>
    %eq3A_108 = vector.broadcast %broadcast_in_dim3A_93 : vector<16x1xf32> to vector<16x128xf32>
    %eq3A_109 = arith.cmpf oeq, %max3A_52, %eq3A_108 : vector<16x128xf32>
    %jit3A_110 = arith.constant -3.40282347E+38 : f32
    %broadcast_in_dim3A_111 = vector.broadcast %jit3A_110 : f32 to vector<16x128xf32>
    %select_n3A_112 = arith.select %eq3A_109, %broadcast_in_dim3A_111, %max3A_52 : vector<16x128xi1>, vector<16x128xf32>
    %eq3A_113 = vector.broadcast %broadcast_in_dim3A_93 : vector<16x1xf32> to vector<16x128xf32>
    %eq3A_114 = arith.cmpf oeq, %max3A_54, %eq3A_113 : vector<16x128xf32>
    %jit3A_115 = arith.constant -3.40282347E+38 : f32
    %broadcast_in_dim3A_116 = vector.broadcast %jit3A_115 : f32 to vector<16x128xf32>
    %select_n3A_117 = arith.select %eq3A_114, %broadcast_in_dim3A_116, %max3A_54 : vector<16x128xi1>, vector<16x128xf32>
    %eq3A_118 = vector.broadcast %broadcast_in_dim3A_93 : vector<16x1xf32> to vector<16x128xf32>
    %eq3A_119 = arith.cmpf oeq, %scan3A_44#5, %eq3A_118 : vector<16x128xf32>
    %jit3A_120 = arith.constant -3.40282347E+38 : f32
    %broadcast_in_dim3A_121 = vector.broadcast %jit3A_120 : f32 to vector<16x128xf32>
    %select_n3A_122 = arith.select %eq3A_119, %broadcast_in_dim3A_121, %scan3A_44#5 : vector<16x128xi1>, vector<16x128xf32>
    %eq3A_123 = vector.broadcast %broadcast_in_dim3A_93 : vector<16x1xf32> to vector<16x128xf32>
    %eq3A_124 = arith.cmpf oeq, %scan3A_44#6, %eq3A_123 : vector<16x128xf32>
    %jit3A_125 = arith.constant -3.40282347E+38 : f32
    %broadcast_in_dim3A_126 = vector.broadcast %jit3A_125 : f32 to vector<16x128xf32>
    %select_n3A_127 = arith.select %eq3A_124, %broadcast_in_dim3A_126, %scan3A_44#6 : vector<16x128xi1>, vector<16x128xf32>
    %eq3A_128 = vector.broadcast %broadcast_in_dim3A_93 : vector<16x1xf32> to vector<16x128xf32>
    %eq3A_129 = arith.cmpf oeq, %max3A_61, %eq3A_128 : vector<16x128xf32>
    %jit3A_130 = arith.constant -3.40282347E+38 : f32
    %broadcast_in_dim3A_131 = vector.broadcast %jit3A_130 : f32 to vector<16x128xf32>
    %select_n3A_132 = arith.select %eq3A_129, %broadcast_in_dim3A_131, %max3A_61 : vector<16x128xi1>, vector<16x128xf32>
    %eq3A_133 = vector.broadcast %broadcast_in_dim3A_93 : vector<16x1xf32> to vector<16x128xf32>
    %eq3A_134 = arith.cmpf oeq, %max3A_63, %eq3A_133 : vector<16x128xf32>
    %jit3A_135 = arith.constant -3.40282347E+38 : f32
    %broadcast_in_dim3A_136 = vector.broadcast %jit3A_135 : f32 to vector<16x128xf32>
    %select_n3A_137 = arith.select %eq3A_134, %broadcast_in_dim3A_136, %max3A_63 : vector<16x128xi1>, vector<16x128xf32>
    %eq3A_138 = vector.broadcast %broadcast_in_dim3A_93 : vector<16x1xf32> to vector<16x128xf32>
    %eq3A_139 = arith.cmpf oeq, %max3A_65, %eq3A_138 : vector<16x128xf32>
    %jit3A_140 = arith.constant -3.40282347E+38 : f32
    %broadcast_in_dim3A_141 = vector.broadcast %jit3A_140 : f32 to vector<16x128xf32>
    %select_n3A_142 = arith.select %eq3A_139, %broadcast_in_dim3A_141, %max3A_65 : vector<16x128xi1>, vector<16x128xf32>
    %eq3A_143 = vector.broadcast %broadcast_in_dim3A_93 : vector<16x1xf32> to vector<16x128xf32>
    %eq3A_144 = arith.cmpf oeq, %max3A_67, %eq3A_143 : vector<16x128xf32>
    %jit3A_145 = arith.constant -3.40282347E+38 : f32
    %broadcast_in_dim3A_146 = vector.broadcast %jit3A_145 : f32 to vector<16x128xf32>
    %select_n3A_147 = arith.select %eq3A_144, %broadcast_in_dim3A_146, %max3A_67 : vector<16x128xi1>, vector<16x128xf32>
    %eq3A_148 = vector.broadcast %broadcast_in_dim3A_93 : vector<16x1xf32> to vector<16x128xf32>
    %eq3A_149 = arith.cmpf oeq, %max3A_69, %eq3A_148 : vector<16x128xf32>
    %jit3A_150 = arith.constant -3.40282347E+38 : f32
    %broadcast_in_dim3A_151 = vector.broadcast %jit3A_150 : f32 to vector<16x128xf32>
    %select_n3A_152 = arith.select %eq3A_149, %broadcast_in_dim3A_151, %max3A_69 : vector<16x128xi1>, vector<16x128xf32>
    %eq3A_153 = vector.broadcast %broadcast_in_dim3A_93 : vector<16x1xf32> to vector<16x128xf32>
    %eq3A_154 = arith.cmpf oeq, %scan3A_44#12, %eq3A_153 : vector<16x128xf32>
    %jit3A_155 = arith.constant -3.40282347E+38 : f32
    %broadcast_in_dim3A_156 = vector.broadcast %jit3A_155 : f32 to vector<16x128xf32>
    %select_n3A_157 = arith.select %eq3A_154, %broadcast_in_dim3A_156, %scan3A_44#12 : vector<16x128xi1>, vector<16x128xf32>
    %eq3A_158 = vector.broadcast %broadcast_in_dim3A_93 : vector<16x1xf32> to vector<16x128xf32>
    %eq3A_159 = arith.cmpf oeq, %scan3A_44#13, %eq3A_158 : vector<16x128xf32>
    %jit3A_160 = arith.constant -3.40282347E+38 : f32
    %broadcast_in_dim3A_161 = vector.broadcast %jit3A_160 : f32 to vector<16x128xf32>
    %select_n3A_162 = arith.select %eq3A_159, %broadcast_in_dim3A_161, %scan3A_44#13 : vector<16x128xi1>, vector<16x128xf32>
    %eq3A_163 = vector.broadcast %broadcast_in_dim3A_93 : vector<16x1xf32> to vector<16x128xf32>
    %eq3A_164 = arith.cmpf oeq, %scan3A_44#14, %eq3A_163 : vector<16x128xf32>
    %jit3A_165 = arith.constant -3.40282347E+38 : f32
    %broadcast_in_dim3A_166 = vector.broadcast %jit3A_165 : f32 to vector<16x128xf32>
    %select_n3A_167 = arith.select %eq3A_164, %broadcast_in_dim3A_166, %scan3A_44#14 : vector<16x128xi1>, vector<16x128xf32>
    %eq3A_168 = vector.broadcast %broadcast_in_dim3A_93 : vector<16x1xf32> to vector<16x128xf32>
    %eq3A_169 = arith.cmpf oeq, %scan3A_44#15, %eq3A_168 : vector<16x128xf32>
    %jit3A_170 = arith.constant -3.40282347E+38 : f32
    %broadcast_in_dim3A_171 = vector.broadcast %jit3A_170 : f32 to vector<16x128xf32>
    %select_n3A_172 = arith.select %eq3A_169, %broadcast_in_dim3A_171, %scan3A_44#15 : vector<16x128xi1>, vector<16x128xf32>
    %eq3A_173 = vector.broadcast %broadcast_in_dim3A_93 : vector<16x1xf32> to vector<16x128xf32>
    %eq3A_174 = arith.cmpf oeq, %scan3A_44#16, %eq3A_173 : vector<16x128xf32>
    %jit3A_175 = arith.constant -3.40282347E+38 : f32
    %broadcast_in_dim3A_176 = vector.broadcast %jit3A_175 : f32 to vector<16x128xf32>
    %select_n3A_177 = arith.select %eq3A_174, %broadcast_in_dim3A_176, %scan3A_44#16 : vector<16x128xi1>, vector<16x128xf32>
    %eq3A_178 = vector.broadcast %broadcast_in_dim3A_93 : vector<16x1xf32> to vector<16x128xf32>
    %eq3A_179 = arith.cmpf oeq, %scan3A_44#17, %eq3A_178 : vector<16x128xf32>
    %jit3A_180 = arith.constant -3.40282347E+38 : f32
    %broadcast_in_dim3A_181 = vector.broadcast %jit3A_180 : f32 to vector<16x128xf32>
    %select_n3A_182 = arith.select %eq3A_179, %broadcast_in_dim3A_181, %scan3A_44#17 : vector<16x128xi1>, vector<16x128xf32>
    %eq3A_183 = vector.broadcast %broadcast_in_dim3A_93 : vector<16x1xf32> to vector<16x128xf32>
    %eq3A_184 = arith.cmpf oeq, %scan3A_44#18, %eq3A_183 : vector<16x128xf32>
    %jit3A_185 = arith.constant -3.40282347E+38 : f32
    %broadcast_in_dim3A_186 = vector.broadcast %jit3A_185 : f32 to vector<16x128xf32>
    %select_n3A_187 = arith.select %eq3A_184, %broadcast_in_dim3A_186, %scan3A_44#18 : vector<16x128xi1>, vector<16x128xf32>
    %eq3A_188 = vector.broadcast %broadcast_in_dim3A_93 : vector<16x1xf32> to vector<16x128xf32>
    %eq3A_189 = arith.cmpf oeq, %scan3A_44#19, %eq3A_188 : vector<16x128xf32>
    %jit3A_190 = arith.constant -3.40282347E+38 : f32
    %broadcast_in_dim3A_191 = vector.broadcast %jit3A_190 : f32 to vector<16x128xf32>
    %select_n3A_192 = arith.select %eq3A_189, %broadcast_in_dim3A_191, %scan3A_44#19 : vector<16x128xi1>, vector<16x128xf32>
    %eq3A_193 = vector.broadcast %broadcast_in_dim3A_93 : vector<16x1xf32> to vector<16x128xf32>
    %eq3A_194 = arith.cmpf oeq, %scan3A_44#20, %eq3A_193 : vector<16x128xf32>
    %jit3A_195 = arith.constant -3.40282347E+38 : f32
    %broadcast_in_dim3A_196 = vector.broadcast %jit3A_195 : f32 to vector<16x128xf32>
    %select_n3A_197 = arith.select %eq3A_194, %broadcast_in_dim3A_196, %scan3A_44#20 : vector<16x128xi1>, vector<16x128xf32>
    %max3A_198 = arith.maximumf %select_n3A_97, %select_n3A_102 : vector<16x128xf32>
    %max3A_199 = arith.maximumf %max3A_198, %select_n3A_107 : vector<16x128xf32>
    %max3A_200 = arith.maximumf %max3A_199, %select_n3A_112 : vector<16x128xf32>
    %max3A_201 = arith.maximumf %max3A_200, %select_n3A_117 : vector<16x128xf32>
    %max3A_202 = arith.maximumf %max3A_201, %select_n3A_122 : vector<16x128xf32>
    %max3A_203 = arith.maximumf %max3A_202, %select_n3A_127 : vector<16x128xf32>
    %max3A_204 = arith.maximumf %max3A_203, %select_n3A_132 : vector<16x128xf32>
    %max3A_205 = arith.maximumf %max3A_204, %select_n3A_137 : vector<16x128xf32>
    %max3A_206 = arith.maximumf %max3A_205, %select_n3A_142 : vector<16x128xf32>
    %max3A_207 = arith.maximumf %max3A_206, %select_n3A_147 : vector<16x128xf32>
    %max3A_208 = arith.maximumf %max3A_207, %select_n3A_152 : vector<16x128xf32>
    %max3A_209 = arith.maximumf %max3A_208, %select_n3A_157 : vector<16x128xf32>
    %max3A_210 = arith.maximumf %max3A_209, %select_n3A_162 : vector<16x128xf32>
    %max3A_211 = arith.maximumf %max3A_210, %select_n3A_167 : vector<16x128xf32>
    %max3A_212 = arith.maximumf %max3A_211, %select_n3A_172 : vector<16x128xf32>
    %max3A_213 = arith.maximumf %max3A_212, %select_n3A_177 : vector<16x128xf32>
    %max3A_214 = arith.maximumf %max3A_213, %select_n3A_182 : vector<16x128xf32>
    %max3A_215 = arith.maximumf %max3A_214, %select_n3A_187 : vector<16x128xf32>
    %max3A_216 = arith.maximumf %max3A_215, %select_n3A_192 : vector<16x128xf32>
    %max3A_217 = arith.maximumf %max3A_216, %select_n3A_197 : vector<16x128xf32>
    %reduce_max3A_218 = arith.constant dense<0xFF800000> : vector<16xf32>
    %reduce_max3A_219 = vector.multi_reduction <maximumf>, %max3A_217, %reduce_max3A_218 [1] : vector<16x128xf32> to vector<16xf32>
    %broadcast_in_dim3A_220 = vector.shape_cast %reduce_max3A_219 : vector<16xf32> to vector<16x1xf32>
    %eq3A_221 = vector.broadcast %broadcast_in_dim3A_220 : vector<16x1xf32> to vector<16x128xf32>
    %eq3A_222 = arith.cmpf oeq, %select_n3A_97, %eq3A_221 : vector<16x128xf32>
    %jit3A_223 = arith.constant -3.40282347E+38 : f32
    %broadcast_in_dim3A_224 = vector.broadcast %jit3A_223 : f32 to vector<16x128xf32>
    %select_n3A_225 = arith.select %eq3A_222, %broadcast_in_dim3A_224, %select_n3A_97 : vector<16x128xi1>, vector<16x128xf32>
    %eq3A_226 = vector.broadcast %broadcast_in_dim3A_220 : vector<16x1xf32> to vector<16x128xf32>
    %eq3A_227 = arith.cmpf oeq, %select_n3A_102, %eq3A_226 : vector<16x128xf32>
    %jit3A_228 = arith.constant -3.40282347E+38 : f32
    %broadcast_in_dim3A_229 = vector.broadcast %jit3A_228 : f32 to vector<16x128xf32>
    %select_n3A_230 = arith.select %eq3A_227, %broadcast_in_dim3A_229, %select_n3A_102 : vector<16x128xi1>, vector<16x128xf32>
    %eq3A_231 = vector.broadcast %broadcast_in_dim3A_220 : vector<16x1xf32> to vector<16x128xf32>
    %eq3A_232 = arith.cmpf oeq, %select_n3A_107, %eq3A_231 : vector<16x128xf32>
    %jit3A_233 = arith.constant -3.40282347E+38 : f32
    %broadcast_in_dim3A_234 = vector.broadcast %jit3A_233 : f32 to vector<16x128xf32>
    %select_n3A_235 = arith.select %eq3A_232, %broadcast_in_dim3A_234, %select_n3A_107 : vector<16x128xi1>, vector<16x128xf32>
    %eq3A_236 = vector.broadcast %broadcast_in_dim3A_220 : vector<16x1xf32> to vector<16x128xf32>
    %eq3A_237 = arith.cmpf oeq, %select_n3A_112, %eq3A_236 : vector<16x128xf32>
    %jit3A_238 = arith.constant -3.40282347E+38 : f32
    %broadcast_in_dim3A_239 = vector.broadcast %jit3A_238 : f32 to vector<16x128xf32>
    %select_n3A_240 = arith.select %eq3A_237, %broadcast_in_dim3A_239, %select_n3A_112 : vector<16x128xi1>, vector<16x128xf32>
    %eq3A_241 = vector.broadcast %broadcast_in_dim3A_220 : vector<16x1xf32> to vector<16x128xf32>
    %eq3A_242 = arith.cmpf oeq, %select_n3A_117, %eq3A_241 : vector<16x128xf32>
    %jit3A_243 = arith.constant -3.40282347E+38 : f32
    %broadcast_in_dim3A_244 = vector.broadcast %jit3A_243 : f32 to vector<16x128xf32>
    %select_n3A_245 = arith.select %eq3A_242, %broadcast_in_dim3A_244, %select_n3A_117 : vector<16x128xi1>, vector<16x128xf32>
    %eq3A_246 = vector.broadcast %broadcast_in_dim3A_220 : vector<16x1xf32> to vector<16x128xf32>
    %eq3A_247 = arith.cmpf oeq, %select_n3A_122, %eq3A_246 : vector<16x128xf32>
    %jit3A_248 = arith.constant -3.40282347E+38 : f32
    %broadcast_in_dim3A_249 = vector.broadcast %jit3A_248 : f32 to vector<16x128xf32>
    %select_n3A_250 = arith.select %eq3A_247, %broadcast_in_dim3A_249, %select_n3A_122 : vector<16x128xi1>, vector<16x128xf32>
    %eq3A_251 = vector.broadcast %broadcast_in_dim3A_220 : vector<16x1xf32> to vector<16x128xf32>
    %eq3A_252 = arith.cmpf oeq, %select_n3A_127, %eq3A_251 : vector<16x128xf32>
    %jit3A_253 = arith.constant -3.40282347E+38 : f32
    %broadcast_in_dim3A_254 = vector.broadcast %jit3A_253 : f32 to vector<16x128xf32>
    %select_n3A_255 = arith.select %eq3A_252, %broadcast_in_dim3A_254, %select_n3A_127 : vector<16x128xi1>, vector<16x128xf32>
    %eq3A_256 = vector.broadcast %broadcast_in_dim3A_220 : vector<16x1xf32> to vector<16x128xf32>
    %eq3A_257 = arith.cmpf oeq, %select_n3A_132, %eq3A_256 : vector<16x128xf32>
    %jit3A_258 = arith.constant -3.40282347E+38 : f32
    %broadcast_in_dim3A_259 = vector.broadcast %jit3A_258 : f32 to vector<16x128xf32>
    %select_n3A_260 = arith.select %eq3A_257, %broadcast_in_dim3A_259, %select_n3A_132 : vector<16x128xi1>, vector<16x128xf32>
    %eq3A_261 = vector.broadcast %broadcast_in_dim3A_220 : vector<16x1xf32> to vector<16x128xf32>
    %eq3A_262 = arith.cmpf oeq, %select_n3A_137, %eq3A_261 : vector<16x128xf32>
    %jit3A_263 = arith.constant -3.40282347E+38 : f32
    %broadcast_in_dim3A_264 = vector.broadcast %jit3A_263 : f32 to vector<16x128xf32>
    %select_n3A_265 = arith.select %eq3A_262, %broadcast_in_dim3A_264, %select_n3A_137 : vector<16x128xi1>, vector<16x128xf32>
    %eq3A_266 = vector.broadcast %broadcast_in_dim3A_220 : vector<16x1xf32> to vector<16x128xf32>
    %eq3A_267 = arith.cmpf oeq, %select_n3A_142, %eq3A_266 : vector<16x128xf32>
    %jit3A_268 = arith.constant -3.40282347E+38 : f32
    %broadcast_in_dim3A_269 = vector.broadcast %jit3A_268 : f32 to vector<16x128xf32>
    %select_n3A_270 = arith.select %eq3A_267, %broadcast_in_dim3A_269, %select_n3A_142 : vector<16x128xi1>, vector<16x128xf32>
    %eq3A_271 = vector.broadcast %broadcast_in_dim3A_220 : vector<16x1xf32> to vector<16x128xf32>
    %eq3A_272 = arith.cmpf oeq, %select_n3A_147, %eq3A_271 : vector<16x128xf32>
    %jit3A_273 = arith.constant -3.40282347E+38 : f32
    %broadcast_in_dim3A_274 = vector.broadcast %jit3A_273 : f32 to vector<16x128xf32>
    %select_n3A_275 = arith.select %eq3A_272, %broadcast_in_dim3A_274, %select_n3A_147 : vector<16x128xi1>, vector<16x128xf32>
    %eq3A_276 = vector.broadcast %broadcast_in_dim3A_220 : vector<16x1xf32> to vector<16x128xf32>
    %eq3A_277 = arith.cmpf oeq, %select_n3A_152, %eq3A_276 : vector<16x128xf32>
    %jit3A_278 = arith.constant -3.40282347E+38 : f32
    %broadcast_in_dim3A_279 = vector.broadcast %jit3A_278 : f32 to vector<16x128xf32>
    %select_n3A_280 = arith.select %eq3A_277, %broadcast_in_dim3A_279, %select_n3A_152 : vector<16x128xi1>, vector<16x128xf32>
    %eq3A_281 = vector.broadcast %broadcast_in_dim3A_220 : vector<16x1xf32> to vector<16x128xf32>
    %eq3A_282 = arith.cmpf oeq, %select_n3A_157, %eq3A_281 : vector<16x128xf32>
    %jit3A_283 = arith.constant -3.40282347E+38 : f32
    %broadcast_in_dim3A_284 = vector.broadcast %jit3A_283 : f32 to vector<16x128xf32>
    %select_n3A_285 = arith.select %eq3A_282, %broadcast_in_dim3A_284, %select_n3A_157 : vector<16x128xi1>, vector<16x128xf32>
    %eq3A_286 = vector.broadcast %broadcast_in_dim3A_220 : vector<16x1xf32> to vector<16x128xf32>
    %eq3A_287 = arith.cmpf oeq, %select_n3A_162, %eq3A_286 : vector<16x128xf32>
    %jit3A_288 = arith.constant -3.40282347E+38 : f32
    %broadcast_in_dim3A_289 = vector.broadcast %jit3A_288 : f32 to vector<16x128xf32>
    %select_n3A_290 = arith.select %eq3A_287, %broadcast_in_dim3A_289, %select_n3A_162 : vector<16x128xi1>, vector<16x128xf32>
    %eq3A_291 = vector.broadcast %broadcast_in_dim3A_220 : vector<16x1xf32> to vector<16x128xf32>
    %eq3A_292 = arith.cmpf oeq, %select_n3A_167, %eq3A_291 : vector<16x128xf32>
    %jit3A_293 = arith.constant -3.40282347E+38 : f32
    %broadcast_in_dim3A_294 = vector.broadcast %jit3A_293 : f32 to vector<16x128xf32>
    %select_n3A_295 = arith.select %eq3A_292, %broadcast_in_dim3A_294, %select_n3A_167 : vector<16x128xi1>, vector<16x128xf32>
    %eq3A_296 = vector.broadcast %broadcast_in_dim3A_220 : vector<16x1xf32> to vector<16x128xf32>
    %eq3A_297 = arith.cmpf oeq, %select_n3A_172, %eq3A_296 : vector<16x128xf32>
    %jit3A_298 = arith.constant -3.40282347E+38 : f32
    %broadcast_in_dim3A_299 = vector.broadcast %jit3A_298 : f32 to vector<16x128xf32>
    %select_n3A_300 = arith.select %eq3A_297, %broadcast_in_dim3A_299, %select_n3A_172 : vector<16x128xi1>, vector<16x128xf32>
    %eq3A_301 = vector.broadcast %broadcast_in_dim3A_220 : vector<16x1xf32> to vector<16x128xf32>
    %eq3A_302 = arith.cmpf oeq, %select_n3A_177, %eq3A_301 : vector<16x128xf32>
    %jit3A_303 = arith.constant -3.40282347E+38 : f32
    %broadcast_in_dim3A_304 = vector.broadcast %jit3A_303 : f32 to vector<16x128xf32>
    %select_n3A_305 = arith.select %eq3A_302, %broadcast_in_dim3A_304, %select_n3A_177 : vector<16x128xi1>, vector<16x128xf32>
    %eq3A_306 = vector.broadcast %broadcast_in_dim3A_220 : vector<16x1xf32> to vector<16x128xf32>
    %eq3A_307 = arith.cmpf oeq, %select_n3A_182, %eq3A_306 : vector<16x128xf32>
    %jit3A_308 = arith.constant -3.40282347E+38 : f32
    %broadcast_in_dim3A_309 = vector.broadcast %jit3A_308 : f32 to vector<16x128xf32>
    %select_n3A_310 = arith.select %eq3A_307, %broadcast_in_dim3A_309, %select_n3A_182 : vector<16x128xi1>, vector<16x128xf32>
    %eq3A_311 = vector.broadcast %broadcast_in_dim3A_220 : vector<16x1xf32> to vector<16x128xf32>
    %eq3A_312 = arith.cmpf oeq, %select_n3A_187, %eq3A_311 : vector<16x128xf32>
    %jit3A_313 = arith.constant -3.40282347E+38 : f32
    %broadcast_in_dim3A_314 = vector.broadcast %jit3A_313 : f32 to vector<16x128xf32>
    %select_n3A_315 = arith.select %eq3A_312, %broadcast_in_dim3A_314, %select_n3A_187 : vector<16x128xi1>, vector<16x128xf32>
    %eq3A_316 = vector.broadcast %broadcast_in_dim3A_220 : vector<16x1xf32> to vector<16x128xf32>
    %eq3A_317 = arith.cmpf oeq, %select_n3A_192, %eq3A_316 : vector<16x128xf32>
    %jit3A_318 = arith.constant -3.40282347E+38 : f32
    %broadcast_in_dim3A_319 = vector.broadcast %jit3A_318 : f32 to vector<16x128xf32>
    %select_n3A_320 = arith.select %eq3A_317, %broadcast_in_dim3A_319, %select_n3A_192 : vector<16x128xi1>, vector<16x128xf32>
    %eq3A_321 = vector.broadcast %broadcast_in_dim3A_220 : vector<16x1xf32> to vector<16x128xf32>
    %eq3A_322 = arith.cmpf oeq, %select_n3A_197, %eq3A_321 : vector<16x128xf32>
    %jit3A_323 = arith.constant -3.40282347E+38 : f32
    %broadcast_in_dim3A_324 = vector.broadcast %jit3A_323 : f32 to vector<16x128xf32>
    %select_n3A_325 = arith.select %eq3A_322, %broadcast_in_dim3A_324, %select_n3A_197 : vector<16x128xi1>, vector<16x128xf32>
    %max3A_326 = arith.maximumf %select_n3A_225, %select_n3A_230 : vector<16x128xf32>
    %max3A_327 = arith.maximumf %max3A_326, %select_n3A_235 : vector<16x128xf32>
    %max3A_328 = arith.maximumf %max3A_327, %select_n3A_240 : vector<16x128xf32>
    %max3A_329 = arith.maximumf %max3A_328, %select_n3A_245 : vector<16x128xf32>
    %max3A_330 = arith.maximumf %max3A_329, %select_n3A_250 : vector<16x128xf32>
    %max3A_331 = arith.maximumf %max3A_330, %select_n3A_255 : vector<16x128xf32>
    %max3A_332 = arith.maximumf %max3A_331, %select_n3A_260 : vector<16x128xf32>
    %max3A_333 = arith.maximumf %max3A_332, %select_n3A_265 : vector<16x128xf32>
    %max3A_334 = arith.maximumf %max3A_333, %select_n3A_270 : vector<16x128xf32>
    %max3A_335 = arith.maximumf %max3A_334, %select_n3A_275 : vector<16x128xf32>
    %max3A_336 = arith.maximumf %max3A_335, %select_n3A_280 : vector<16x128xf32>
    %max3A_337 = arith.maximumf %max3A_336, %select_n3A_285 : vector<16x128xf32>
    %max3A_338 = arith.maximumf %max3A_337, %select_n3A_290 : vector<16x128xf32>
    %max3A_339 = arith.maximumf %max3A_338, %select_n3A_295 : vector<16x128xf32>
    %max3A_340 = arith.maximumf %max3A_339, %select_n3A_300 : vector<16x128xf32>
    %max3A_341 = arith.maximumf %max3A_340, %select_n3A_305 : vector<16x128xf32>
    %max3A_342 = arith.maximumf %max3A_341, %select_n3A_310 : vector<16x128xf32>
    %max3A_343 = arith.maximumf %max3A_342, %select_n3A_315 : vector<16x128xf32>
    %max3A_344 = arith.maximumf %max3A_343, %select_n3A_320 : vector<16x128xf32>
    %max3A_345 = arith.maximumf %max3A_344, %select_n3A_325 : vector<16x128xf32>
    %reduce_max3A_346 = arith.constant dense<0xFF800000> : vector<16xf32>
    %reduce_max3A_347 = vector.multi_reduction <maximumf>, %max3A_345, %reduce_max3A_346 [1] : vector<16x128xf32> to vector<16xf32>
    %broadcast_in_dim3A_348 = vector.shape_cast %reduce_max3A_347 : vector<16xf32> to vector<16x1xf32>
    %eq3A_349 = vector.broadcast %broadcast_in_dim3A_348 : vector<16x1xf32> to vector<16x128xf32>
    %eq3A_350 = arith.cmpf oeq, %select_n3A_225, %eq3A_349 : vector<16x128xf32>
    %jit3A_351 = arith.constant -3.40282347E+38 : f32
    %broadcast_in_dim3A_352 = vector.broadcast %jit3A_351 : f32 to vector<16x128xf32>
    %select_n3A_353 = arith.select %eq3A_350, %broadcast_in_dim3A_352, %select_n3A_225 : vector<16x128xi1>, vector<16x128xf32>
    %eq3A_354 = vector.broadcast %broadcast_in_dim3A_348 : vector<16x1xf32> to vector<16x128xf32>
    %eq3A_355 = arith.cmpf oeq, %select_n3A_230, %eq3A_354 : vector<16x128xf32>
    %jit3A_356 = arith.constant -3.40282347E+38 : f32
    %broadcast_in_dim3A_357 = vector.broadcast %jit3A_356 : f32 to vector<16x128xf32>
    %select_n3A_358 = arith.select %eq3A_355, %broadcast_in_dim3A_357, %select_n3A_230 : vector<16x128xi1>, vector<16x128xf32>
    %eq3A_359 = vector.broadcast %broadcast_in_dim3A_348 : vector<16x1xf32> to vector<16x128xf32>
    %eq3A_360 = arith.cmpf oeq, %select_n3A_235, %eq3A_359 : vector<16x128xf32>
    %jit3A_361 = arith.constant -3.40282347E+38 : f32
    %broadcast_in_dim3A_362 = vector.broadcast %jit3A_361 : f32 to vector<16x128xf32>
    %select_n3A_363 = arith.select %eq3A_360, %broadcast_in_dim3A_362, %select_n3A_235 : vector<16x128xi1>, vector<16x128xf32>
    %eq3A_364 = vector.broadcast %broadcast_in_dim3A_348 : vector<16x1xf32> to vector<16x128xf32>
    %eq3A_365 = arith.cmpf oeq, %select_n3A_240, %eq3A_364 : vector<16x128xf32>
    %jit3A_366 = arith.constant -3.40282347E+38 : f32
    %broadcast_in_dim3A_367 = vector.broadcast %jit3A_366 : f32 to vector<16x128xf32>
    %select_n3A_368 = arith.select %eq3A_365, %broadcast_in_dim3A_367, %select_n3A_240 : vector<16x128xi1>, vector<16x128xf32>
    %eq3A_369 = vector.broadcast %broadcast_in_dim3A_348 : vector<16x1xf32> to vector<16x128xf32>
    %eq3A_370 = arith.cmpf oeq, %select_n3A_245, %eq3A_369 : vector<16x128xf32>
    %jit3A_371 = arith.constant -3.40282347E+38 : f32
    %broadcast_in_dim3A_372 = vector.broadcast %jit3A_371 : f32 to vector<16x128xf32>
    %select_n3A_373 = arith.select %eq3A_370, %broadcast_in_dim3A_372, %select_n3A_245 : vector<16x128xi1>, vector<16x128xf32>
    %eq3A_374 = vector.broadcast %broadcast_in_dim3A_348 : vector<16x1xf32> to vector<16x128xf32>
    %eq3A_375 = arith.cmpf oeq, %select_n3A_250, %eq3A_374 : vector<16x128xf32>
    %jit3A_376 = arith.constant -3.40282347E+38 : f32
    %broadcast_in_dim3A_377 = vector.broadcast %jit3A_376 : f32 to vector<16x128xf32>
    %select_n3A_378 = arith.select %eq3A_375, %broadcast_in_dim3A_377, %select_n3A_250 : vector<16x128xi1>, vector<16x128xf32>
    %eq3A_379 = vector.broadcast %broadcast_in_dim3A_348 : vector<16x1xf32> to vector<16x128xf32>
    %eq3A_380 = arith.cmpf oeq, %select_n3A_255, %eq3A_379 : vector<16x128xf32>
    %jit3A_381 = arith.constant -3.40282347E+38 : f32
    %broadcast_in_dim3A_382 = vector.broadcast %jit3A_381 : f32 to vector<16x128xf32>
    %select_n3A_383 = arith.select %eq3A_380, %broadcast_in_dim3A_382, %select_n3A_255 : vector<16x128xi1>, vector<16x128xf32>
    %eq3A_384 = vector.broadcast %broadcast_in_dim3A_348 : vector<16x1xf32> to vector<16x128xf32>
    %eq3A_385 = arith.cmpf oeq, %select_n3A_260, %eq3A_384 : vector<16x128xf32>
    %jit3A_386 = arith.constant -3.40282347E+38 : f32
    %broadcast_in_dim3A_387 = vector.broadcast %jit3A_386 : f32 to vector<16x128xf32>
    %select_n3A_388 = arith.select %eq3A_385, %broadcast_in_dim3A_387, %select_n3A_260 : vector<16x128xi1>, vector<16x128xf32>
    %eq3A_389 = vector.broadcast %broadcast_in_dim3A_348 : vector<16x1xf32> to vector<16x128xf32>
    %eq3A_390 = arith.cmpf oeq, %select_n3A_265, %eq3A_389 : vector<16x128xf32>
    %jit3A_391 = arith.constant -3.40282347E+38 : f32
    %broadcast_in_dim3A_392 = vector.broadcast %jit3A_391 : f32 to vector<16x128xf32>
    %select_n3A_393 = arith.select %eq3A_390, %broadcast_in_dim3A_392, %select_n3A_265 : vector<16x128xi1>, vector<16x128xf32>
    %eq3A_394 = vector.broadcast %broadcast_in_dim3A_348 : vector<16x1xf32> to vector<16x128xf32>
    %eq3A_395 = arith.cmpf oeq, %select_n3A_270, %eq3A_394 : vector<16x128xf32>
    %jit3A_396 = arith.constant -3.40282347E+38 : f32
    %broadcast_in_dim3A_397 = vector.broadcast %jit3A_396 : f32 to vector<16x128xf32>
    %select_n3A_398 = arith.select %eq3A_395, %broadcast_in_dim3A_397, %select_n3A_270 : vector<16x128xi1>, vector<16x128xf32>
    %eq3A_399 = vector.broadcast %broadcast_in_dim3A_348 : vector<16x1xf32> to vector<16x128xf32>
    %eq3A_400 = arith.cmpf oeq, %select_n3A_275, %eq3A_399 : vector<16x128xf32>
    %jit3A_401 = arith.constant -3.40282347E+38 : f32
    %broadcast_in_dim3A_402 = vector.broadcast %jit3A_401 : f32 to vector<16x128xf32>
    %select_n3A_403 = arith.select %eq3A_400, %broadcast_in_dim3A_402, %select_n3A_275 : vector<16x128xi1>, vector<16x128xf32>
    %eq3A_404 = vector.broadcast %broadcast_in_dim3A_348 : vector<16x1xf32> to vector<16x128xf32>
    %eq3A_405 = arith.cmpf oeq, %select_n3A_280, %eq3A_404 : vector<16x128xf32>
    %jit3A_406 = arith.constant -3.40282347E+38 : f32
    %broadcast_in_dim3A_407 = vector.broadcast %jit3A_406 : f32 to vector<16x128xf32>
    %select_n3A_408 = arith.select %eq3A_405, %broadcast_in_dim3A_407, %select_n3A_280 : vector<16x128xi1>, vector<16x128xf32>
    %eq3A_409 = vector.broadcast %broadcast_in_dim3A_348 : vector<16x1xf32> to vector<16x128xf32>
    %eq3A_410 = arith.cmpf oeq, %select_n3A_285, %eq3A_409 : vector<16x128xf32>
    %jit3A_411 = arith.constant -3.40282347E+38 : f32
    %broadcast_in_dim3A_412 = vector.broadcast %jit3A_411 : f32 to vector<16x128xf32>
    %select_n3A_413 = arith.select %eq3A_410, %broadcast_in_dim3A_412, %select_n3A_285 : vector<16x128xi1>, vector<16x128xf32>
    %eq3A_414 = vector.broadcast %broadcast_in_dim3A_348 : vector<16x1xf32> to vector<16x128xf32>
    %eq3A_415 = arith.cmpf oeq, %select_n3A_290, %eq3A_414 : vector<16x128xf32>
    %jit3A_416 = arith.constant -3.40282347E+38 : f32
    %broadcast_in_dim3A_417 = vector.broadcast %jit3A_416 : f32 to vector<16x128xf32>
    %select_n3A_418 = arith.select %eq3A_415, %broadcast_in_dim3A_417, %select_n3A_290 : vector<16x128xi1>, vector<16x128xf32>
    %eq3A_419 = vector.broadcast %broadcast_in_dim3A_348 : vector<16x1xf32> to vector<16x128xf32>
    %eq3A_420 = arith.cmpf oeq, %select_n3A_295, %eq3A_419 : vector<16x128xf32>
    %jit3A_421 = arith.constant -3.40282347E+38 : f32
    %broadcast_in_dim3A_422 = vector.broadcast %jit3A_421 : f32 to vector<16x128xf32>
    %select_n3A_423 = arith.select %eq3A_420, %broadcast_in_dim3A_422, %select_n3A_295 : vector<16x128xi1>, vector<16x128xf32>
    %eq3A_424 = vector.broadcast %broadcast_in_dim3A_348 : vector<16x1xf32> to vector<16x128xf32>
    %eq3A_425 = arith.cmpf oeq, %select_n3A_300, %eq3A_424 : vector<16x128xf32>
    %jit3A_426 = arith.constant -3.40282347E+38 : f32
    %broadcast_in_dim3A_427 = vector.broadcast %jit3A_426 : f32 to vector<16x128xf32>
    %select_n3A_428 = arith.select %eq3A_425, %broadcast_in_dim3A_427, %select_n3A_300 : vector<16x128xi1>, vector<16x128xf32>
    %eq3A_429 = vector.broadcast %broadcast_in_dim3A_348 : vector<16x1xf32> to vector<16x128xf32>
    %eq3A_430 = arith.cmpf oeq, %select_n3A_305, %eq3A_429 : vector<16x128xf32>
    %jit3A_431 = arith.constant -3.40282347E+38 : f32
    %broadcast_in_dim3A_432 = vector.broadcast %jit3A_431 : f32 to vector<16x128xf32>
    %select_n3A_433 = arith.select %eq3A_430, %broadcast_in_dim3A_432, %select_n3A_305 : vector<16x128xi1>, vector<16x128xf32>
    %eq3A_434 = vector.broadcast %broadcast_in_dim3A_348 : vector<16x1xf32> to vector<16x128xf32>
    %eq3A_435 = arith.cmpf oeq, %select_n3A_310, %eq3A_434 : vector<16x128xf32>
    %jit3A_436 = arith.constant -3.40282347E+38 : f32
    %broadcast_in_dim3A_437 = vector.broadcast %jit3A_436 : f32 to vector<16x128xf32>
    %select_n3A_438 = arith.select %eq3A_435, %broadcast_in_dim3A_437, %select_n3A_310 : vector<16x128xi1>, vector<16x128xf32>
    %eq3A_439 = vector.broadcast %broadcast_in_dim3A_348 : vector<16x1xf32> to vector<16x128xf32>
    %eq3A_440 = arith.cmpf oeq, %select_n3A_315, %eq3A_439 : vector<16x128xf32>
    %jit3A_441 = arith.constant -3.40282347E+38 : f32
    %broadcast_in_dim3A_442 = vector.broadcast %jit3A_441 : f32 to vector<16x128xf32>
    %select_n3A_443 = arith.select %eq3A_440, %broadcast_in_dim3A_442, %select_n3A_315 : vector<16x128xi1>, vector<16x128xf32>
    %eq3A_444 = vector.broadcast %broadcast_in_dim3A_348 : vector<16x1xf32> to vector<16x128xf32>
    %eq3A_445 = arith.cmpf oeq, %select_n3A_320, %eq3A_444 : vector<16x128xf32>
    %jit3A_446 = arith.constant -3.40282347E+38 : f32
    %broadcast_in_dim3A_447 = vector.broadcast %jit3A_446 : f32 to vector<16x128xf32>
    %select_n3A_448 = arith.select %eq3A_445, %broadcast_in_dim3A_447, %select_n3A_320 : vector<16x128xi1>, vector<16x128xf32>
    %eq3A_449 = vector.broadcast %broadcast_in_dim3A_348 : vector<16x1xf32> to vector<16x128xf32>
    %eq3A_450 = arith.cmpf oeq, %select_n3A_325, %eq3A_449 : vector<16x128xf32>
    %jit3A_451 = arith.constant -3.40282347E+38 : f32
    %broadcast_in_dim3A_452 = vector.broadcast %jit3A_451 : f32 to vector<16x128xf32>
    %select_n3A_453 = arith.select %eq3A_450, %broadcast_in_dim3A_452, %select_n3A_325 : vector<16x128xi1>, vector<16x128xf32>
    %max3A_454 = arith.maximumf %select_n3A_353, %select_n3A_358 : vector<16x128xf32>
    %max3A_455 = arith.maximumf %max3A_454, %select_n3A_363 : vector<16x128xf32>
    %max3A_456 = arith.maximumf %max3A_455, %select_n3A_368 : vector<16x128xf32>
    %max3A_457 = arith.maximumf %max3A_456, %select_n3A_373 : vector<16x128xf32>
    %max3A_458 = arith.maximumf %max3A_457, %select_n3A_378 : vector<16x128xf32>
    %max3A_459 = arith.maximumf %max3A_458, %select_n3A_383 : vector<16x128xf32>
    %max3A_460 = arith.maximumf %max3A_459, %select_n3A_388 : vector<16x128xf32>
    %max3A_461 = arith.maximumf %max3A_460, %select_n3A_393 : vector<16x128xf32>
    %max3A_462 = arith.maximumf %max3A_461, %select_n3A_398 : vector<16x128xf32>
    %max3A_463 = arith.maximumf %max3A_462, %select_n3A_403 : vector<16x128xf32>
    %max3A_464 = arith.maximumf %max3A_463, %select_n3A_408 : vector<16x128xf32>
    %max3A_465 = arith.maximumf %max3A_464, %select_n3A_413 : vector<16x128xf32>
    %max3A_466 = arith.maximumf %max3A_465, %select_n3A_418 : vector<16x128xf32>
    %max3A_467 = arith.maximumf %max3A_466, %select_n3A_423 : vector<16x128xf32>
    %max3A_468 = arith.maximumf %max3A_467, %select_n3A_428 : vector<16x128xf32>
    %max3A_469 = arith.maximumf %max3A_468, %select_n3A_433 : vector<16x128xf32>
    %max3A_470 = arith.maximumf %max3A_469, %select_n3A_438 : vector<16x128xf32>
    %max3A_471 = arith.maximumf %max3A_470, %select_n3A_443 : vector<16x128xf32>
    %max3A_472 = arith.maximumf %max3A_471, %select_n3A_448 : vector<16x128xf32>
    %max3A_473 = arith.maximumf %max3A_472, %select_n3A_453 : vector<16x128xf32>
    %reduce_max3A_474 = arith.constant dense<0xFF800000> : vector<16xf32>
    %reduce_max3A_475 = vector.multi_reduction <maximumf>, %max3A_473, %reduce_max3A_474 [1] : vector<16x128xf32> to vector<16xf32>
    %broadcast_in_dim3A_476 = vector.shape_cast %reduce_max3A_475 : vector<16xf32> to vector<16x1xf32>
    %eq3A_477 = vector.broadcast %broadcast_in_dim3A_476 : vector<16x1xf32> to vector<16x128xf32>
    %eq3A_478 = arith.cmpf oeq, %select_n3A_353, %eq3A_477 : vector<16x128xf32>
    %jit3A_479 = arith.constant -3.40282347E+38 : f32
    %broadcast_in_dim3A_480 = vector.broadcast %jit3A_479 : f32 to vector<16x128xf32>
    %select_n3A_481 = arith.select %eq3A_478, %broadcast_in_dim3A_480, %select_n3A_353 : vector<16x128xi1>, vector<16x128xf32>
    %eq3A_482 = vector.broadcast %broadcast_in_dim3A_476 : vector<16x1xf32> to vector<16x128xf32>
    %eq3A_483 = arith.cmpf oeq, %select_n3A_358, %eq3A_482 : vector<16x128xf32>
    %jit3A_484 = arith.constant -3.40282347E+38 : f32
    %broadcast_in_dim3A_485 = vector.broadcast %jit3A_484 : f32 to vector<16x128xf32>
    %select_n3A_486 = arith.select %eq3A_483, %broadcast_in_dim3A_485, %select_n3A_358 : vector<16x128xi1>, vector<16x128xf32>
    %eq3A_487 = vector.broadcast %broadcast_in_dim3A_476 : vector<16x1xf32> to vector<16x128xf32>
    %eq3A_488 = arith.cmpf oeq, %select_n3A_363, %eq3A_487 : vector<16x128xf32>
    %jit3A_489 = arith.constant -3.40282347E+38 : f32
    %broadcast_in_dim3A_490 = vector.broadcast %jit3A_489 : f32 to vector<16x128xf32>
    %select_n3A_491 = arith.select %eq3A_488, %broadcast_in_dim3A_490, %select_n3A_363 : vector<16x128xi1>, vector<16x128xf32>
    %eq3A_492 = vector.broadcast %broadcast_in_dim3A_476 : vector<16x1xf32> to vector<16x128xf32>
    %eq3A_493 = arith.cmpf oeq, %select_n3A_368, %eq3A_492 : vector<16x128xf32>
    %jit3A_494 = arith.constant -3.40282347E+38 : f32
    %broadcast_in_dim3A_495 = vector.broadcast %jit3A_494 : f32 to vector<16x128xf32>
    %select_n3A_496 = arith.select %eq3A_493, %broadcast_in_dim3A_495, %select_n3A_368 : vector<16x128xi1>, vector<16x128xf32>
    %eq3A_497 = vector.broadcast %broadcast_in_dim3A_476 : vector<16x1xf32> to vector<16x128xf32>
    %eq3A_498 = arith.cmpf oeq, %select_n3A_373, %eq3A_497 : vector<16x128xf32>
    %jit3A_499 = arith.constant -3.40282347E+38 : f32
    %broadcast_in_dim3A_500 = vector.broadcast %jit3A_499 : f32 to vector<16x128xf32>
    %select_n3A_501 = arith.select %eq3A_498, %broadcast_in_dim3A_500, %select_n3A_373 : vector<16x128xi1>, vector<16x128xf32>
    %eq3A_502 = vector.broadcast %broadcast_in_dim3A_476 : vector<16x1xf32> to vector<16x128xf32>
    %eq3A_503 = arith.cmpf oeq, %select_n3A_378, %eq3A_502 : vector<16x128xf32>
    %jit3A_504 = arith.constant -3.40282347E+38 : f32
    %broadcast_in_dim3A_505 = vector.broadcast %jit3A_504 : f32 to vector<16x128xf32>
    %select_n3A_506 = arith.select %eq3A_503, %broadcast_in_dim3A_505, %select_n3A_378 : vector<16x128xi1>, vector<16x128xf32>
    %eq3A_507 = vector.broadcast %broadcast_in_dim3A_476 : vector<16x1xf32> to vector<16x128xf32>
    %eq3A_508 = arith.cmpf oeq, %select_n3A_383, %eq3A_507 : vector<16x128xf32>
    %jit3A_509 = arith.constant -3.40282347E+38 : f32
    %broadcast_in_dim3A_510 = vector.broadcast %jit3A_509 : f32 to vector<16x128xf32>
    %select_n3A_511 = arith.select %eq3A_508, %broadcast_in_dim3A_510, %select_n3A_383 : vector<16x128xi1>, vector<16x128xf32>
    %eq3A_512 = vector.broadcast %broadcast_in_dim3A_476 : vector<16x1xf32> to vector<16x128xf32>
    %eq3A_513 = arith.cmpf oeq, %select_n3A_388, %eq3A_512 : vector<16x128xf32>
    %jit3A_514 = arith.constant -3.40282347E+38 : f32
    %broadcast_in_dim3A_515 = vector.broadcast %jit3A_514 : f32 to vector<16x128xf32>
    %select_n3A_516 = arith.select %eq3A_513, %broadcast_in_dim3A_515, %select_n3A_388 : vector<16x128xi1>, vector<16x128xf32>
    %eq3A_517 = vector.broadcast %broadcast_in_dim3A_476 : vector<16x1xf32> to vector<16x128xf32>
    %eq3A_518 = arith.cmpf oeq, %select_n3A_393, %eq3A_517 : vector<16x128xf32>
    %jit3A_519 = arith.constant -3.40282347E+38 : f32
    %broadcast_in_dim3A_520 = vector.broadcast %jit3A_519 : f32 to vector<16x128xf32>
    %select_n3A_521 = arith.select %eq3A_518, %broadcast_in_dim3A_520, %select_n3A_393 : vector<16x128xi1>, vector<16x128xf32>
    %eq3A_522 = vector.broadcast %broadcast_in_dim3A_476 : vector<16x1xf32> to vector<16x128xf32>
    %eq3A_523 = arith.cmpf oeq, %select_n3A_398, %eq3A_522 : vector<16x128xf32>
    %jit3A_524 = arith.constant -3.40282347E+38 : f32
    %broadcast_in_dim3A_525 = vector.broadcast %jit3A_524 : f32 to vector<16x128xf32>
    %select_n3A_526 = arith.select %eq3A_523, %broadcast_in_dim3A_525, %select_n3A_398 : vector<16x128xi1>, vector<16x128xf32>
    %eq3A_527 = vector.broadcast %broadcast_in_dim3A_476 : vector<16x1xf32> to vector<16x128xf32>
    %eq3A_528 = arith.cmpf oeq, %select_n3A_403, %eq3A_527 : vector<16x128xf32>
    %jit3A_529 = arith.constant -3.40282347E+38 : f32
    %broadcast_in_dim3A_530 = vector.broadcast %jit3A_529 : f32 to vector<16x128xf32>
    %select_n3A_531 = arith.select %eq3A_528, %broadcast_in_dim3A_530, %select_n3A_403 : vector<16x128xi1>, vector<16x128xf32>
    %eq3A_532 = vector.broadcast %broadcast_in_dim3A_476 : vector<16x1xf32> to vector<16x128xf32>
    %eq3A_533 = arith.cmpf oeq, %select_n3A_408, %eq3A_532 : vector<16x128xf32>
    %jit3A_534 = arith.constant -3.40282347E+38 : f32
    %broadcast_in_dim3A_535 = vector.broadcast %jit3A_534 : f32 to vector<16x128xf32>
    %select_n3A_536 = arith.select %eq3A_533, %broadcast_in_dim3A_535, %select_n3A_408 : vector<16x128xi1>, vector<16x128xf32>
    %eq3A_537 = vector.broadcast %broadcast_in_dim3A_476 : vector<16x1xf32> to vector<16x128xf32>
    %eq3A_538 = arith.cmpf oeq, %select_n3A_413, %eq3A_537 : vector<16x128xf32>
    %jit3A_539 = arith.constant -3.40282347E+38 : f32
    %broadcast_in_dim3A_540 = vector.broadcast %jit3A_539 : f32 to vector<16x128xf32>
    %select_n3A_541 = arith.select %eq3A_538, %broadcast_in_dim3A_540, %select_n3A_413 : vector<16x128xi1>, vector<16x128xf32>
    %eq3A_542 = vector.broadcast %broadcast_in_dim3A_476 : vector<16x1xf32> to vector<16x128xf32>
    %eq3A_543 = arith.cmpf oeq, %select_n3A_418, %eq3A_542 : vector<16x128xf32>
    %jit3A_544 = arith.constant -3.40282347E+38 : f32
    %broadcast_in_dim3A_545 = vector.broadcast %jit3A_544 : f32 to vector<16x128xf32>
    %select_n3A_546 = arith.select %eq3A_543, %broadcast_in_dim3A_545, %select_n3A_418 : vector<16x128xi1>, vector<16x128xf32>
    %eq3A_547 = vector.broadcast %broadcast_in_dim3A_476 : vector<16x1xf32> to vector<16x128xf32>
    %eq3A_548 = arith.cmpf oeq, %select_n3A_423, %eq3A_547 : vector<16x128xf32>
    %jit3A_549 = arith.constant -3.40282347E+38 : f32
    %broadcast_in_dim3A_550 = vector.broadcast %jit3A_549 : f32 to vector<16x128xf32>
    %select_n3A_551 = arith.select %eq3A_548, %broadcast_in_dim3A_550, %select_n3A_423 : vector<16x128xi1>, vector<16x128xf32>
    %eq3A_552 = vector.broadcast %broadcast_in_dim3A_476 : vector<16x1xf32> to vector<16x128xf32>
    %eq3A_553 = arith.cmpf oeq, %select_n3A_428, %eq3A_552 : vector<16x128xf32>
    %jit3A_554 = arith.constant -3.40282347E+38 : f32
    %broadcast_in_dim3A_555 = vector.broadcast %jit3A_554 : f32 to vector<16x128xf32>
    %select_n3A_556 = arith.select %eq3A_553, %broadcast_in_dim3A_555, %select_n3A_428 : vector<16x128xi1>, vector<16x128xf32>
    %eq3A_557 = vector.broadcast %broadcast_in_dim3A_476 : vector<16x1xf32> to vector<16x128xf32>
    %eq3A_558 = arith.cmpf oeq, %select_n3A_433, %eq3A_557 : vector<16x128xf32>
    %jit3A_559 = arith.constant -3.40282347E+38 : f32
    %broadcast_in_dim3A_560 = vector.broadcast %jit3A_559 : f32 to vector<16x128xf32>
    %select_n3A_561 = arith.select %eq3A_558, %broadcast_in_dim3A_560, %select_n3A_433 : vector<16x128xi1>, vector<16x128xf32>
    %eq3A_562 = vector.broadcast %broadcast_in_dim3A_476 : vector<16x1xf32> to vector<16x128xf32>
    %eq3A_563 = arith.cmpf oeq, %select_n3A_438, %eq3A_562 : vector<16x128xf32>
    %jit3A_564 = arith.constant -3.40282347E+38 : f32
    %broadcast_in_dim3A_565 = vector.broadcast %jit3A_564 : f32 to vector<16x128xf32>
    %select_n3A_566 = arith.select %eq3A_563, %broadcast_in_dim3A_565, %select_n3A_438 : vector<16x128xi1>, vector<16x128xf32>
    %eq3A_567 = vector.broadcast %broadcast_in_dim3A_476 : vector<16x1xf32> to vector<16x128xf32>
    %eq3A_568 = arith.cmpf oeq, %select_n3A_443, %eq3A_567 : vector<16x128xf32>
    %jit3A_569 = arith.constant -3.40282347E+38 : f32
    %broadcast_in_dim3A_570 = vector.broadcast %jit3A_569 : f32 to vector<16x128xf32>
    %select_n3A_571 = arith.select %eq3A_568, %broadcast_in_dim3A_570, %select_n3A_443 : vector<16x128xi1>, vector<16x128xf32>
    %eq3A_572 = vector.broadcast %broadcast_in_dim3A_476 : vector<16x1xf32> to vector<16x128xf32>
    %eq3A_573 = arith.cmpf oeq, %select_n3A_448, %eq3A_572 : vector<16x128xf32>
    %jit3A_574 = arith.constant -3.40282347E+38 : f32
    %broadcast_in_dim3A_575 = vector.broadcast %jit3A_574 : f32 to vector<16x128xf32>
    %select_n3A_576 = arith.select %eq3A_573, %broadcast_in_dim3A_575, %select_n3A_448 : vector<16x128xi1>, vector<16x128xf32>
    %eq3A_577 = vector.broadcast %broadcast_in_dim3A_476 : vector<16x1xf32> to vector<16x128xf32>
    %eq3A_578 = arith.cmpf oeq, %select_n3A_453, %eq3A_577 : vector<16x128xf32>
    %jit3A_579 = arith.constant -3.40282347E+38 : f32
    %broadcast_in_dim3A_580 = vector.broadcast %jit3A_579 : f32 to vector<16x128xf32>
    %select_n3A_581 = arith.select %eq3A_578, %broadcast_in_dim3A_580, %select_n3A_453 : vector<16x128xi1>, vector<16x128xf32>
    %max3A_582 = arith.maximumf %select_n3A_481, %select_n3A_486 : vector<16x128xf32>
    %max3A_583 = arith.maximumf %max3A_582, %select_n3A_491 : vector<16x128xf32>
    %max3A_584 = arith.maximumf %max3A_583, %select_n3A_496 : vector<16x128xf32>
    %max3A_585 = arith.maximumf %max3A_584, %select_n3A_501 : vector<16x128xf32>
    %max3A_586 = arith.maximumf %max3A_585, %select_n3A_506 : vector<16x128xf32>
    %max3A_587 = arith.maximumf %max3A_586, %select_n3A_511 : vector<16x128xf32>
    %max3A_588 = arith.maximumf %max3A_587, %select_n3A_516 : vector<16x128xf32>
    %max3A_589 = arith.maximumf %max3A_588, %select_n3A_521 : vector<16x128xf32>
    %max3A_590 = arith.maximumf %max3A_589, %select_n3A_526 : vector<16x128xf32>
    %max3A_591 = arith.maximumf %max3A_590, %select_n3A_531 : vector<16x128xf32>
    %max3A_592 = arith.maximumf %max3A_591, %select_n3A_536 : vector<16x128xf32>
    %max3A_593 = arith.maximumf %max3A_592, %select_n3A_541 : vector<16x128xf32>
    %max3A_594 = arith.maximumf %max3A_593, %select_n3A_546 : vector<16x128xf32>
    %max3A_595 = arith.maximumf %max3A_594, %select_n3A_551 : vector<16x128xf32>
    %max3A_596 = arith.maximumf %max3A_595, %select_n3A_556 : vector<16x128xf32>
    %max3A_597 = arith.maximumf %max3A_596, %select_n3A_561 : vector<16x128xf32>
    %max3A_598 = arith.maximumf %max3A_597, %select_n3A_566 : vector<16x128xf32>
    %max3A_599 = arith.maximumf %max3A_598, %select_n3A_571 : vector<16x128xf32>
    %max3A_600 = arith.maximumf %max3A_599, %select_n3A_576 : vector<16x128xf32>
    %max3A_601 = arith.maximumf %max3A_600, %select_n3A_581 : vector<16x128xf32>
    %reduce_max3A_602 = arith.constant dense<0xFF800000> : vector<16xf32>
    %reduce_max3A_603 = vector.multi_reduction <maximumf>, %max3A_601, %reduce_max3A_602 [1] : vector<16x128xf32> to vector<16xf32>
    %broadcast_in_dim3A_604 = vector.shape_cast %reduce_max3A_603 : vector<16xf32> to vector<16x1xf32>
    %iota3A_605 = tpu.iota {dimensions = array<i32: 1>} : vector<16x256xi32>
    %concatenate3A = tpu.concatenate %max3A_71, %max3A_71 in 1 : vector<16x128xf32>, vector<16x128xf32> -> vector<16x256xf32>
    %broadcast_in_dim3A_606 = arith.constant 0.000000e+00 : f32
    %broadcast_in_dim3A_607 = vector.broadcast %broadcast_in_dim3A_606 : f32 to vector<16x256xf32>
    %scan3A_608 = arith.constant 0 : i32
    %scan3A_609 = arith.constant 48 : i32
    %scan3A_610 = arith.addi %scan3A_608, %scan3A_609 : i32
    %scan3A_611 = arith.constant 1 : i32
    %scan3A_612:8 = scf.for %scan3A_1099 = %scan3A_608 to %scan3A_610 step %scan3A_611 iter_args(%scan3A_1100 = %broadcast_in_dim3A_607, %scan3A_1101 = %broadcast_in_dim3A_607, %scan3A_1102 = %broadcast_in_dim3A_607, %scan3A_1103 = %broadcast_in_dim3A_607, %scan3A_1104 = %broadcast_in_dim3A_607, %scan3A_1105 = %broadcast_in_dim3A_607, %scan3A_1106 = %broadcast_in_dim3A_607, %scan3A_1107 = %broadcast_in_dim3A_607) -> (vector<16x256xf32>, vector<16x256xf32>, vector<16x256xf32>, vector<16x256xf32>, vector<16x256xf32>, vector<16x256xf32>, vector<16x256xf32>, vector<16x256xf32>)  : i32 {
      %mul3A_1108 = arith.constant 2048 : i32
      %mul3A_1109 = arith.muli %scan3A_1099, %mul3A_1108 : i32
      %multiple_of3A_1110 = tpu.assume_multiple %mul3A_1109, 256 : i32
      %add3A_1111 = arith.constant 0 : i32
      %add3A_1112 = arith.addi %multiple_of3A_1110, %add3A_1111 : i32
      %get3A_1113 = arith.constant 0 : index
      %get3A_1114 = arith.index_cast %add3A_1112 : i32 to index
      %get3A_1115 = vector.load %arg1[%get3A_1113, %get3A_1114] : memref<16x100096xf32, #tpu.memory_space<vmem>>, vector<16x256xf32>
      %sub3A_1116 = arith.subf %get3A_1115, %concatenate3A : vector<16x256xf32>
      %mul3A_1117 = arith.constant 1.44269502 : f32
      %mul3A_1118 = vector.broadcast %mul3A_1117 : f32 to vector<16x256xf32>
      %mul3A_1119 = arith.mulf %sub3A_1116, %mul3A_1118 : vector<16x256xf32>
      %exp23A_1120 = math.exp2 %mul3A_1119 : vector<16x256xf32>
      %add3A_1121 = arith.addf %scan3A_1100, %exp23A_1120 : vector<16x256xf32>
      %add3A_1122 = arith.constant 256 : i32
      %add3A_1123 = arith.addi %multiple_of3A_1110, %add3A_1122 : i32
      %get3A_1124 = arith.constant 0 : index
      %get3A_1125 = arith.index_cast %add3A_1123 : i32 to index
      %get3A_1126 = vector.load %arg1[%get3A_1124, %get3A_1125] : memref<16x100096xf32, #tpu.memory_space<vmem>>, vector<16x256xf32>
      %sub3A_1127 = arith.subf %get3A_1126, %concatenate3A : vector<16x256xf32>
      %mul3A_1128 = arith.constant 1.44269502 : f32
      %mul3A_1129 = vector.broadcast %mul3A_1128 : f32 to vector<16x256xf32>
      %mul3A_1130 = arith.mulf %sub3A_1127, %mul3A_1129 : vector<16x256xf32>
      %exp23A_1131 = math.exp2 %mul3A_1130 : vector<16x256xf32>
      %add3A_1132 = arith.addf %scan3A_1101, %exp23A_1131 : vector<16x256xf32>
      %add3A_1133 = arith.constant 512 : i32
      %add3A_1134 = arith.addi %multiple_of3A_1110, %add3A_1133 : i32
      %get3A_1135 = arith.constant 0 : index
      %get3A_1136 = arith.index_cast %add3A_1134 : i32 to index
      %get3A_1137 = vector.load %arg1[%get3A_1135, %get3A_1136] : memref<16x100096xf32, #tpu.memory_space<vmem>>, vector<16x256xf32>
      %sub3A_1138 = arith.subf %get3A_1137, %concatenate3A : vector<16x256xf32>
      %mul3A_1139 = arith.constant 1.44269502 : f32
      %mul3A_1140 = vector.broadcast %mul3A_1139 : f32 to vector<16x256xf32>
      %mul3A_1141 = arith.mulf %sub3A_1138, %mul3A_1140 : vector<16x256xf32>
      %exp23A_1142 = math.exp2 %mul3A_1141 : vector<16x256xf32>
      %add3A_1143 = arith.addf %scan3A_1102, %exp23A_1142 : vector<16x256xf32>
      %add3A_1144 = arith.constant 768 : i32
      %add3A_1145 = arith.addi %multiple_of3A_1110, %add3A_1144 : i32
      %get3A_1146 = arith.constant 0 : index
      %get3A_1147 = arith.index_cast %add3A_1145 : i32 to index
      %get3A_1148 = vector.load %arg1[%get3A_1146, %get3A_1147] : memref<16x100096xf32, #tpu.memory_space<vmem>>, vector<16x256xf32>
      %sub3A_1149 = arith.subf %get3A_1148, %concatenate3A : vector<16x256xf32>
      %mul3A_1150 = arith.constant 1.44269502 : f32
      %mul3A_1151 = vector.broadcast %mul3A_1150 : f32 to vector<16x256xf32>
      %mul3A_1152 = arith.mulf %sub3A_1149, %mul3A_1151 : vector<16x256xf32>
      %exp23A_1153 = math.exp2 %mul3A_1152 : vector<16x256xf32>
      %add3A_1154 = arith.addf %scan3A_1103, %exp23A_1153 : vector<16x256xf32>
      %add3A_1155 = arith.constant 1024 : i32
      %add3A_1156 = arith.addi %multiple_of3A_1110, %add3A_1155 : i32
      %get3A_1157 = arith.constant 0 : index
      %get3A_1158 = arith.index_cast %add3A_1156 : i32 to index
      %get3A_1159 = vector.load %arg1[%get3A_1157, %get3A_1158] : memref<16x100096xf32, #tpu.memory_space<vmem>>, vector<16x256xf32>
      %sub3A_1160 = arith.subf %get3A_1159, %concatenate3A : vector<16x256xf32>
      %mul3A_1161 = arith.constant 1.44269502 : f32
      %mul3A_1162 = vector.broadcast %mul3A_1161 : f32 to vector<16x256xf32>
      %mul3A_1163 = arith.mulf %sub3A_1160, %mul3A_1162 : vector<16x256xf32>
      %exp23A_1164 = math.exp2 %mul3A_1163 : vector<16x256xf32>
      %add3A_1165 = arith.addf %scan3A_1104, %exp23A_1164 : vector<16x256xf32>
      %add3A_1166 = arith.constant 1280 : i32
      %add3A_1167 = arith.addi %multiple_of3A_1110, %add3A_1166 : i32
      %get3A_1168 = arith.constant 0 : index
      %get3A_1169 = arith.index_cast %add3A_1167 : i32 to index
      %get3A_1170 = vector.load %arg1[%get3A_1168, %get3A_1169] : memref<16x100096xf32, #tpu.memory_space<vmem>>, vector<16x256xf32>
      %sub3A_1171 = arith.subf %get3A_1170, %concatenate3A : vector<16x256xf32>
      %mul3A_1172 = arith.constant 1.44269502 : f32
      %mul3A_1173 = vector.broadcast %mul3A_1172 : f32 to vector<16x256xf32>
      %mul3A_1174 = arith.mulf %sub3A_1171, %mul3A_1173 : vector<16x256xf32>
      %exp23A_1175 = math.exp2 %mul3A_1174 : vector<16x256xf32>
      %add3A_1176 = arith.addf %scan3A_1105, %exp23A_1175 : vector<16x256xf32>
      %add3A_1177 = arith.constant 1536 : i32
      %add3A_1178 = arith.addi %multiple_of3A_1110, %add3A_1177 : i32
      %get3A_1179 = arith.constant 0 : index
      %get3A_1180 = arith.index_cast %add3A_1178 : i32 to index
      %get3A_1181 = vector.load %arg1[%get3A_1179, %get3A_1180] : memref<16x100096xf32, #tpu.memory_space<vmem>>, vector<16x256xf32>
      %sub3A_1182 = arith.subf %get3A_1181, %concatenate3A : vector<16x256xf32>
      %mul3A_1183 = arith.constant 1.44269502 : f32
      %mul3A_1184 = vector.broadcast %mul3A_1183 : f32 to vector<16x256xf32>
      %mul3A_1185 = arith.mulf %sub3A_1182, %mul3A_1184 : vector<16x256xf32>
      %exp23A_1186 = math.exp2 %mul3A_1185 : vector<16x256xf32>
      %add3A_1187 = arith.addf %scan3A_1106, %exp23A_1186 : vector<16x256xf32>
      %add3A_1188 = arith.constant 1792 : i32
      %add3A_1189 = arith.addi %multiple_of3A_1110, %add3A_1188 : i32
      %get3A_1190 = arith.constant 0 : index
      %get3A_1191 = arith.index_cast %add3A_1189 : i32 to index
      %get3A_1192 = vector.load %arg1[%get3A_1190, %get3A_1191] : memref<16x100096xf32, #tpu.memory_space<vmem>>, vector<16x256xf32>
      %sub3A_1193 = arith.subf %get3A_1192, %concatenate3A : vector<16x256xf32>
      %mul3A_1194 = arith.constant 1.44269502 : f32
      %mul3A_1195 = vector.broadcast %mul3A_1194 : f32 to vector<16x256xf32>
      %mul3A_1196 = arith.mulf %sub3A_1193, %mul3A_1195 : vector<16x256xf32>
      %exp23A_1197 = math.exp2 %mul3A_1196 : vector<16x256xf32>
      %add3A_1198 = arith.addf %scan3A_1107, %exp23A_1197 : vector<16x256xf32>
      scf.yield %add3A_1121, %add3A_1132, %add3A_1143, %add3A_1154, %add3A_1165, %add3A_1176, %add3A_1187, %add3A_1198 : vector<16x256xf32>, vector<16x256xf32>, vector<16x256xf32>, vector<16x256xf32>, vector<16x256xf32>, vector<16x256xf32>, vector<16x256xf32>, vector<16x256xf32>
    }
    %scan3A_613 = arith.constant 48 : i32
    %get3A_614 = arith.constant 0 : index
    %get3A_615 = arith.constant 98304 : index
    %get3A_616 = vector.load %arg1[%get3A_614, %get3A_615] : memref<16x100096xf32, #tpu.memory_space<vmem>>, vector<16x256xf32>
    %sub3A = arith.subf %get3A_616, %concatenate3A : vector<16x256xf32>
    %mul3A = arith.constant 1.44269502 : f32
    %mul3A_617 = vector.broadcast %mul3A : f32 to vector<16x256xf32>
    %mul3A_618 = arith.mulf %sub3A, %mul3A_617 : vector<16x256xf32>
    %exp23A = math.exp2 %mul3A_618 : vector<16x256xf32>
    %add3A = arith.addf %scan3A_612#0, %exp23A : vector<16x256xf32>
    %get3A_619 = arith.constant 0 : index
    %get3A_620 = arith.constant 98560 : index
    %get3A_621 = vector.load %arg1[%get3A_619, %get3A_620] : memref<16x100096xf32, #tpu.memory_space<vmem>>, vector<16x256xf32>
    %sub3A_622 = arith.subf %get3A_621, %concatenate3A : vector<16x256xf32>
    %mul3A_623 = arith.constant 1.44269502 : f32
    %mul3A_624 = vector.broadcast %mul3A_623 : f32 to vector<16x256xf32>
    %mul3A_625 = arith.mulf %sub3A_622, %mul3A_624 : vector<16x256xf32>
    %exp23A_626 = math.exp2 %mul3A_625 : vector<16x256xf32>
    %add3A_627 = arith.addf %scan3A_612#1, %exp23A_626 : vector<16x256xf32>
    %get3A_628 = arith.constant 0 : index
    %get3A_629 = arith.constant 98816 : index
    %get3A_630 = vector.load %arg1[%get3A_628, %get3A_629] : memref<16x100096xf32, #tpu.memory_space<vmem>>, vector<16x256xf32>
    %sub3A_631 = arith.subf %get3A_630, %concatenate3A : vector<16x256xf32>
    %mul3A_632 = arith.constant 1.44269502 : f32
    %mul3A_633 = vector.broadcast %mul3A_632 : f32 to vector<16x256xf32>
    %mul3A_634 = arith.mulf %sub3A_631, %mul3A_633 : vector<16x256xf32>
    %exp23A_635 = math.exp2 %mul3A_634 : vector<16x256xf32>
    %add3A_636 = arith.addf %scan3A_612#2, %exp23A_635 : vector<16x256xf32>
    %get3A_637 = arith.constant 0 : index
    %get3A_638 = arith.constant 99072 : index
    %get3A_639 = vector.load %arg1[%get3A_637, %get3A_638] : memref<16x100096xf32, #tpu.memory_space<vmem>>, vector<16x256xf32>
    %sub3A_640 = arith.subf %get3A_639, %concatenate3A : vector<16x256xf32>
    %mul3A_641 = arith.constant 1.44269502 : f32
    %mul3A_642 = vector.broadcast %mul3A_641 : f32 to vector<16x256xf32>
    %mul3A_643 = arith.mulf %sub3A_640, %mul3A_642 : vector<16x256xf32>
    %exp23A_644 = math.exp2 %mul3A_643 : vector<16x256xf32>
    %add3A_645 = arith.addf %scan3A_612#3, %exp23A_644 : vector<16x256xf32>
    %get3A_646 = arith.constant 0 : index
    %get3A_647 = arith.constant 99328 : index
    %get3A_648 = vector.load %arg1[%get3A_646, %get3A_647] : memref<16x100096xf32, #tpu.memory_space<vmem>>, vector<16x256xf32>
    %sub3A_649 = arith.subf %get3A_648, %concatenate3A : vector<16x256xf32>
    %mul3A_650 = arith.constant 1.44269502 : f32
    %mul3A_651 = vector.broadcast %mul3A_650 : f32 to vector<16x256xf32>
    %mul3A_652 = arith.mulf %sub3A_649, %mul3A_651 : vector<16x256xf32>
    %exp23A_653 = math.exp2 %mul3A_652 : vector<16x256xf32>
    %add3A_654 = arith.addf %scan3A_612#4, %exp23A_653 : vector<16x256xf32>
    %get3A_655 = arith.constant 0 : index
    %get3A_656 = arith.constant 99584 : index
    %get3A_657 = vector.load %arg1[%get3A_655, %get3A_656] : memref<16x100096xf32, #tpu.memory_space<vmem>>, vector<16x256xf32>
    %sub3A_658 = arith.subf %get3A_657, %concatenate3A : vector<16x256xf32>
    %mul3A_659 = arith.constant 1.44269502 : f32
    %mul3A_660 = vector.broadcast %mul3A_659 : f32 to vector<16x256xf32>
    %mul3A_661 = arith.mulf %sub3A_658, %mul3A_660 : vector<16x256xf32>
    %exp23A_662 = math.exp2 %mul3A_661 : vector<16x256xf32>
    %add3A_663 = arith.addf %scan3A_612#5, %exp23A_662 : vector<16x256xf32>
    %get3A_664 = arith.constant 0 : index
    %get3A_665 = arith.constant 99840 : index
    %get3A_666 = vector.load %arg1[%get3A_664, %get3A_665] : memref<16x100096xf32, #tpu.memory_space<vmem>>, vector<16x256xf32>
    %lt3A_667 = arith.constant 160 : i32
    %lt3A_668 = vector.broadcast %lt3A_667 : i32 to vector<16x256xi32>
    %lt3A_669 = arith.cmpi slt, %iota3A_605, %lt3A_668 : vector<16x256xi32>
    %sub3A_670 = arith.subf %get3A_666, %concatenate3A : vector<16x256xf32>
    %mul3A_671 = arith.constant 1.44269502 : f32
    %mul3A_672 = vector.broadcast %mul3A_671 : f32 to vector<16x256xf32>
    %mul3A_673 = arith.mulf %sub3A_670, %mul3A_672 : vector<16x256xf32>
    %exp23A_674 = math.exp2 %mul3A_673 : vector<16x256xf32>
    %jit3A_675 = arith.constant 0.000000e+00 : f32
    %broadcast_in_dim3A_676 = vector.broadcast %jit3A_675 : f32 to vector<16x256xf32>
    %select_n3A_677 = arith.select %lt3A_669, %exp23A_674, %broadcast_in_dim3A_676 : vector<16x256xi1>, vector<16x256xf32>
    %add3A_678 = arith.addf %add3A, %select_n3A_677 : vector<16x256xf32>
    %add3A_679 = arith.addf %add3A_678, %add3A_627 : vector<16x256xf32>
    %add3A_680 = arith.addf %add3A_679, %add3A_636 : vector<16x256xf32>
    %add3A_681 = arith.addf %add3A_680, %add3A_645 : vector<16x256xf32>
    %add3A_682 = arith.addf %add3A_681, %add3A_654 : vector<16x256xf32>
    %add3A_683 = arith.addf %add3A_682, %add3A_663 : vector<16x256xf32>
    %add3A_684 = arith.addf %add3A_683, %scan3A_612#6 : vector<16x256xf32>
    %add3A_685 = arith.addf %add3A_684, %scan3A_612#7 : vector<16x256xf32>
    %slice3A = vector.extract_strided_slice %add3A_685 {offsets = [0, 0], sizes = [16, 128], strides = [1, 1]} : vector<16x256xf32> to vector<16x128xf32>
    %slice3A_686 = vector.extract_strided_slice %add3A_685 {offsets = [0, 128], sizes = [16, 128], strides = [1, 1]} : vector<16x256xf32> to vector<16x128xf32>
    %add3A_687 = arith.addf %slice3A, %slice3A_686 : vector<16x128xf32>
    %iota3A_688 = tpu.iota {dimensions = array<i32: 1>} : vector<1x128xi32>
    %mul3A_689 = arith.constant 16 : i32
    %mul3A_690 = arith.muli %arg0, %mul3A_689 : i32
    %add3A_691 = arith.constant 0 : i32
    %add3A_692 = arith.addi %mul3A_690, %add3A_691 : i32
    %get3A_693 = arith.index_cast %add3A_692 : i32 to index
    %get3A_694 = memref.load %arg2[%get3A_693] : memref<512xi32, #tpu.memory_space<smem>>
    %and3A = arith.constant -128 : i32
    %and3A_695 = arith.andi %get3A_694, %and3A : i32
    %multiple_of3A = tpu.assume_multiple %and3A_695, 128 : i32
    %get3A_696 = arith.constant 0 : index
    %get3A_697 = arith.index_cast %multiple_of3A : i32 to index
    %get3A_698 = vector.load %arg1[%get3A_696, %get3A_697] : memref<16x100096xf32, #tpu.memory_space<vmem>>, vector<1x128xf32>
    %and3A_699 = arith.constant 127 : i32
    %and3A_700 = arith.andi %get3A_694, %and3A_699 : i32
    %eq3A_701 = vector.broadcast %and3A_700 : i32 to vector<1x128xi32>
    %eq3A_702 = arith.cmpi eq, %iota3A_688, %eq3A_701 : vector<1x128xi32>
    %jit3A_703 = arith.constant 0.000000e+00 : f32
    %broadcast_in_dim3A_704 = vector.broadcast %jit3A_703 : f32 to vector<1x128xf32>
    %select_n3A_705 = arith.select %eq3A_702, %get3A_698, %broadcast_in_dim3A_704 : vector<1x128xi1>, vector<1x128xf32>
    %reduce_sum3A = arith.constant dense<0.000000e+00> : vector<1xf32>
    %reduce_sum3A_706 = vector.multi_reduction <add>, %select_n3A_705, %reduce_sum3A [1] : vector<1x128xf32> to vector<1xf32>
    %broadcast_in_dim3A_707 = vector.shape_cast %reduce_sum3A_706 : vector<1xf32> to vector<1x1xf32>
    %mul3A_708 = arith.constant 16 : i32
    %mul3A_709 = arith.muli %arg0, %mul3A_708 : i32
    %add3A_710 = arith.constant 1 : i32
    %add3A_711 = arith.addi %mul3A_709, %add3A_710 : i32
    %get3A_712 = arith.index_cast %add3A_711 : i32 to index
    %get3A_713 = memref.load %arg2[%get3A_712] : memref<512xi32, #tpu.memory_space<smem>>
    %and3A_714 = arith.constant -128 : i32
    %and3A_715 = arith.andi %get3A_713, %and3A_714 : i32
    %multiple_of3A_716 = tpu.assume_multiple %and3A_715, 128 : i32
    %get3A_717 = arith.constant 1 : index
    %get3A_718 = arith.index_cast %multiple_of3A_716 : i32 to index
    %get3A_719 = vector.load %arg1[%get3A_717, %get3A_718] : memref<16x100096xf32, #tpu.memory_space<vmem>>, vector<1x128xf32>
    %and3A_720 = arith.constant 127 : i32
    %and3A_721 = arith.andi %get3A_713, %and3A_720 : i32
    %eq3A_722 = vector.broadcast %and3A_721 : i32 to vector<1x128xi32>
    %eq3A_723 = arith.cmpi eq, %iota3A_688, %eq3A_722 : vector<1x128xi32>
    %jit3A_724 = arith.constant 0.000000e+00 : f32
    %broadcast_in_dim3A_725 = vector.broadcast %jit3A_724 : f32 to vector<1x128xf32>
    %select_n3A_726 = arith.select %eq3A_723, %get3A_719, %broadcast_in_dim3A_725 : vector<1x128xi1>, vector<1x128xf32>
    %reduce_sum3A_727 = arith.constant dense<0.000000e+00> : vector<1xf32>
    %reduce_sum3A_728 = vector.multi_reduction <add>, %select_n3A_726, %reduce_sum3A_727 [1] : vector<1x128xf32> to vector<1xf32>
    %broadcast_in_dim3A_729 = vector.shape_cast %reduce_sum3A_728 : vector<1xf32> to vector<1x1xf32>
    %mul3A_730 = arith.constant 16 : i32
    %mul3A_731 = arith.muli %arg0, %mul3A_730 : i32
    %add3A_732 = arith.constant 2 : i32
    %add3A_733 = arith.addi %mul3A_731, %add3A_732 : i32
    %get3A_734 = arith.index_cast %add3A_733 : i32 to index
    %get3A_735 = memref.load %arg2[%get3A_734] : memref<512xi32, #tpu.memory_space<smem>>
    %and3A_736 = arith.constant -128 : i32
    %and3A_737 = arith.andi %get3A_735, %and3A_736 : i32
    %multiple_of3A_738 = tpu.assume_multiple %and3A_737, 128 : i32
    %get3A_739 = arith.constant 2 : index
    %get3A_740 = arith.index_cast %multiple_of3A_738 : i32 to index
    %get3A_741 = vector.load %arg1[%get3A_739, %get3A_740] : memref<16x100096xf32, #tpu.memory_space<vmem>>, vector<1x128xf32>
    %and3A_742 = arith.constant 127 : i32
    %and3A_743 = arith.andi %get3A_735, %and3A_742 : i32
    %eq3A_744 = vector.broadcast %and3A_743 : i32 to vector<1x128xi32>
    %eq3A_745 = arith.cmpi eq, %iota3A_688, %eq3A_744 : vector<1x128xi32>
    %jit3A_746 = arith.constant 0.000000e+00 : f32
    %broadcast_in_dim3A_747 = vector.broadcast %jit3A_746 : f32 to vector<1x128xf32>
    %select_n3A_748 = arith.select %eq3A_745, %get3A_741, %broadcast_in_dim3A_747 : vector<1x128xi1>, vector<1x128xf32>
    %reduce_sum3A_749 = arith.constant dense<0.000000e+00> : vector<1xf32>
    %reduce_sum3A_750 = vector.multi_reduction <add>, %select_n3A_748, %reduce_sum3A_749 [1] : vector<1x128xf32> to vector<1xf32>
    %broadcast_in_dim3A_751 = vector.shape_cast %reduce_sum3A_750 : vector<1xf32> to vector<1x1xf32>
    %mul3A_752 = arith.constant 16 : i32
    %mul3A_753 = arith.muli %arg0, %mul3A_752 : i32
    %add3A_754 = arith.constant 3 : i32
    %add3A_755 = arith.addi %mul3A_753, %add3A_754 : i32
    %get3A_756 = arith.index_cast %add3A_755 : i32 to index
    %get3A_757 = memref.load %arg2[%get3A_756] : memref<512xi32, #tpu.memory_space<smem>>
    %and3A_758 = arith.constant -128 : i32
    %and3A_759 = arith.andi %get3A_757, %and3A_758 : i32
    %multiple_of3A_760 = tpu.assume_multiple %and3A_759, 128 : i32
    %get3A_761 = arith.constant 3 : index
    %get3A_762 = arith.index_cast %multiple_of3A_760 : i32 to index
    %get3A_763 = vector.load %arg1[%get3A_761, %get3A_762] : memref<16x100096xf32, #tpu.memory_space<vmem>>, vector<1x128xf32>
    %and3A_764 = arith.constant 127 : i32
    %and3A_765 = arith.andi %get3A_757, %and3A_764 : i32
    %eq3A_766 = vector.broadcast %and3A_765 : i32 to vector<1x128xi32>
    %eq3A_767 = arith.cmpi eq, %iota3A_688, %eq3A_766 : vector<1x128xi32>
    %jit3A_768 = arith.constant 0.000000e+00 : f32
    %broadcast_in_dim3A_769 = vector.broadcast %jit3A_768 : f32 to vector<1x128xf32>
    %select_n3A_770 = arith.select %eq3A_767, %get3A_763, %broadcast_in_dim3A_769 : vector<1x128xi1>, vector<1x128xf32>
    %reduce_sum3A_771 = arith.constant dense<0.000000e+00> : vector<1xf32>
    %reduce_sum3A_772 = vector.multi_reduction <add>, %select_n3A_770, %reduce_sum3A_771 [1] : vector<1x128xf32> to vector<1xf32>
    %broadcast_in_dim3A_773 = vector.shape_cast %reduce_sum3A_772 : vector<1xf32> to vector<1x1xf32>
    %mul3A_774 = arith.constant 16 : i32
    %mul3A_775 = arith.muli %arg0, %mul3A_774 : i32
    %add3A_776 = arith.constant 4 : i32
    %add3A_777 = arith.addi %mul3A_775, %add3A_776 : i32
    %get3A_778 = arith.index_cast %add3A_777 : i32 to index
    %get3A_779 = memref.load %arg2[%get3A_778] : memref<512xi32, #tpu.memory_space<smem>>
    %and3A_780 = arith.constant -128 : i32
    %and3A_781 = arith.andi %get3A_779, %and3A_780 : i32
    %multiple_of3A_782 = tpu.assume_multiple %and3A_781, 128 : i32
    %get3A_783 = arith.constant 4 : index
    %get3A_784 = arith.index_cast %multiple_of3A_782 : i32 to index
    %get3A_785 = vector.load %arg1[%get3A_783, %get3A_784] : memref<16x100096xf32, #tpu.memory_space<vmem>>, vector<1x128xf32>
    %and3A_786 = arith.constant 127 : i32
    %and3A_787 = arith.andi %get3A_779, %and3A_786 : i32
    %eq3A_788 = vector.broadcast %and3A_787 : i32 to vector<1x128xi32>
    %eq3A_789 = arith.cmpi eq, %iota3A_688, %eq3A_788 : vector<1x128xi32>
    %jit3A_790 = arith.constant 0.000000e+00 : f32
    %broadcast_in_dim3A_791 = vector.broadcast %jit3A_790 : f32 to vector<1x128xf32>
    %select_n3A_792 = arith.select %eq3A_789, %get3A_785, %broadcast_in_dim3A_791 : vector<1x128xi1>, vector<1x128xf32>
    %reduce_sum3A_793 = arith.constant dense<0.000000e+00> : vector<1xf32>
    %reduce_sum3A_794 = vector.multi_reduction <add>, %select_n3A_792, %reduce_sum3A_793 [1] : vector<1x128xf32> to vector<1xf32>
    %broadcast_in_dim3A_795 = vector.shape_cast %reduce_sum3A_794 : vector<1xf32> to vector<1x1xf32>
    %mul3A_796 = arith.constant 16 : i32
    %mul3A_797 = arith.muli %arg0, %mul3A_796 : i32
    %add3A_798 = arith.constant 5 : i32
    %add3A_799 = arith.addi %mul3A_797, %add3A_798 : i32
    %get3A_800 = arith.index_cast %add3A_799 : i32 to index
    %get3A_801 = memref.load %arg2[%get3A_800] : memref<512xi32, #tpu.memory_space<smem>>
    %and3A_802 = arith.constant -128 : i32
    %and3A_803 = arith.andi %get3A_801, %and3A_802 : i32
    %multiple_of3A_804 = tpu.assume_multiple %and3A_803, 128 : i32
    %get3A_805 = arith.constant 5 : index
    %get3A_806 = arith.index_cast %multiple_of3A_804 : i32 to index
    %get3A_807 = vector.load %arg1[%get3A_805, %get3A_806] : memref<16x100096xf32, #tpu.memory_space<vmem>>, vector<1x128xf32>
    %and3A_808 = arith.constant 127 : i32
    %and3A_809 = arith.andi %get3A_801, %and3A_808 : i32
    %eq3A_810 = vector.broadcast %and3A_809 : i32 to vector<1x128xi32>
    %eq3A_811 = arith.cmpi eq, %iota3A_688, %eq3A_810 : vector<1x128xi32>
    %jit3A_812 = arith.constant 0.000000e+00 : f32
    %broadcast_in_dim3A_813 = vector.broadcast %jit3A_812 : f32 to vector<1x128xf32>
    %select_n3A_814 = arith.select %eq3A_811, %get3A_807, %broadcast_in_dim3A_813 : vector<1x128xi1>, vector<1x128xf32>
    %reduce_sum3A_815 = arith.constant dense<0.000000e+00> : vector<1xf32>
    %reduce_sum3A_816 = vector.multi_reduction <add>, %select_n3A_814, %reduce_sum3A_815 [1] : vector<1x128xf32> to vector<1xf32>
    %broadcast_in_dim3A_817 = vector.shape_cast %reduce_sum3A_816 : vector<1xf32> to vector<1x1xf32>
    %mul3A_818 = arith.constant 16 : i32
    %mul3A_819 = arith.muli %arg0, %mul3A_818 : i32
    %add3A_820 = arith.constant 6 : i32
    %add3A_821 = arith.addi %mul3A_819, %add3A_820 : i32
    %get3A_822 = arith.index_cast %add3A_821 : i32 to index
    %get3A_823 = memref.load %arg2[%get3A_822] : memref<512xi32, #tpu.memory_space<smem>>
    %and3A_824 = arith.constant -128 : i32
    %and3A_825 = arith.andi %get3A_823, %and3A_824 : i32
    %multiple_of3A_826 = tpu.assume_multiple %and3A_825, 128 : i32
    %get3A_827 = arith.constant 6 : index
    %get3A_828 = arith.index_cast %multiple_of3A_826 : i32 to index
    %get3A_829 = vector.load %arg1[%get3A_827, %get3A_828] : memref<16x100096xf32, #tpu.memory_space<vmem>>, vector<1x128xf32>
    %and3A_830 = arith.constant 127 : i32
    %and3A_831 = arith.andi %get3A_823, %and3A_830 : i32
    %eq3A_832 = vector.broadcast %and3A_831 : i32 to vector<1x128xi32>
    %eq3A_833 = arith.cmpi eq, %iota3A_688, %eq3A_832 : vector<1x128xi32>
    %jit3A_834 = arith.constant 0.000000e+00 : f32
    %broadcast_in_dim3A_835 = vector.broadcast %jit3A_834 : f32 to vector<1x128xf32>
    %select_n3A_836 = arith.select %eq3A_833, %get3A_829, %broadcast_in_dim3A_835 : vector<1x128xi1>, vector<1x128xf32>
    %reduce_sum3A_837 = arith.constant dense<0.000000e+00> : vector<1xf32>
    %reduce_sum3A_838 = vector.multi_reduction <add>, %select_n3A_836, %reduce_sum3A_837 [1] : vector<1x128xf32> to vector<1xf32>
    %broadcast_in_dim3A_839 = vector.shape_cast %reduce_sum3A_838 : vector<1xf32> to vector<1x1xf32>
    %mul3A_840 = arith.constant 16 : i32
    %mul3A_841 = arith.muli %arg0, %mul3A_840 : i32
    %add3A_842 = arith.constant 7 : i32
    %add3A_843 = arith.addi %mul3A_841, %add3A_842 : i32
    %get3A_844 = arith.index_cast %add3A_843 : i32 to index
    %get3A_845 = memref.load %arg2[%get3A_844] : memref<512xi32, #tpu.memory_space<smem>>
    %and3A_846 = arith.constant -128 : i32
    %and3A_847 = arith.andi %get3A_845, %and3A_846 : i32
    %multiple_of3A_848 = tpu.assume_multiple %and3A_847, 128 : i32
    %get3A_849 = arith.constant 7 : index
    %get3A_850 = arith.index_cast %multiple_of3A_848 : i32 to index
    %get3A_851 = vector.load %arg1[%get3A_849, %get3A_850] : memref<16x100096xf32, #tpu.memory_space<vmem>>, vector<1x128xf32>
    %and3A_852 = arith.constant 127 : i32
    %and3A_853 = arith.andi %get3A_845, %and3A_852 : i32
    %eq3A_854 = vector.broadcast %and3A_853 : i32 to vector<1x128xi32>
    %eq3A_855 = arith.cmpi eq, %iota3A_688, %eq3A_854 : vector<1x128xi32>
    %jit3A_856 = arith.constant 0.000000e+00 : f32
    %broadcast_in_dim3A_857 = vector.broadcast %jit3A_856 : f32 to vector<1x128xf32>
    %select_n3A_858 = arith.select %eq3A_855, %get3A_851, %broadcast_in_dim3A_857 : vector<1x128xi1>, vector<1x128xf32>
    %reduce_sum3A_859 = arith.constant dense<0.000000e+00> : vector<1xf32>
    %reduce_sum3A_860 = vector.multi_reduction <add>, %select_n3A_858, %reduce_sum3A_859 [1] : vector<1x128xf32> to vector<1xf32>
    %broadcast_in_dim3A_861 = vector.shape_cast %reduce_sum3A_860 : vector<1xf32> to vector<1x1xf32>
    %mul3A_862 = arith.constant 16 : i32
    %mul3A_863 = arith.muli %arg0, %mul3A_862 : i32
    %add3A_864 = arith.constant 8 : i32
    %add3A_865 = arith.addi %mul3A_863, %add3A_864 : i32
    %get3A_866 = arith.index_cast %add3A_865 : i32 to index
    %get3A_867 = memref.load %arg2[%get3A_866] : memref<512xi32, #tpu.memory_space<smem>>
    %and3A_868 = arith.constant -128 : i32
    %and3A_869 = arith.andi %get3A_867, %and3A_868 : i32
    %multiple_of3A_870 = tpu.assume_multiple %and3A_869, 128 : i32
    %get3A_871 = arith.constant 8 : index
    %get3A_872 = arith.index_cast %multiple_of3A_870 : i32 to index
    %get3A_873 = vector.load %arg1[%get3A_871, %get3A_872] : memref<16x100096xf32, #tpu.memory_space<vmem>>, vector<1x128xf32>
    %and3A_874 = arith.constant 127 : i32
    %and3A_875 = arith.andi %get3A_867, %and3A_874 : i32
    %eq3A_876 = vector.broadcast %and3A_875 : i32 to vector<1x128xi32>
    %eq3A_877 = arith.cmpi eq, %iota3A_688, %eq3A_876 : vector<1x128xi32>
    %jit3A_878 = arith.constant 0.000000e+00 : f32
    %broadcast_in_dim3A_879 = vector.broadcast %jit3A_878 : f32 to vector<1x128xf32>
    %select_n3A_880 = arith.select %eq3A_877, %get3A_873, %broadcast_in_dim3A_879 : vector<1x128xi1>, vector<1x128xf32>
    %reduce_sum3A_881 = arith.constant dense<0.000000e+00> : vector<1xf32>
    %reduce_sum3A_882 = vector.multi_reduction <add>, %select_n3A_880, %reduce_sum3A_881 [1] : vector<1x128xf32> to vector<1xf32>
    %broadcast_in_dim3A_883 = vector.shape_cast %reduce_sum3A_882 : vector<1xf32> to vector<1x1xf32>
    %mul3A_884 = arith.constant 16 : i32
    %mul3A_885 = arith.muli %arg0, %mul3A_884 : i32
    %add3A_886 = arith.constant 9 : i32
    %add3A_887 = arith.addi %mul3A_885, %add3A_886 : i32
    %get3A_888 = arith.index_cast %add3A_887 : i32 to index
    %get3A_889 = memref.load %arg2[%get3A_888] : memref<512xi32, #tpu.memory_space<smem>>
    %and3A_890 = arith.constant -128 : i32
    %and3A_891 = arith.andi %get3A_889, %and3A_890 : i32
    %multiple_of3A_892 = tpu.assume_multiple %and3A_891, 128 : i32
    %get3A_893 = arith.constant 9 : index
    %get3A_894 = arith.index_cast %multiple_of3A_892 : i32 to index
    %get3A_895 = vector.load %arg1[%get3A_893, %get3A_894] : memref<16x100096xf32, #tpu.memory_space<vmem>>, vector<1x128xf32>
    %and3A_896 = arith.constant 127 : i32
    %and3A_897 = arith.andi %get3A_889, %and3A_896 : i32
    %eq3A_898 = vector.broadcast %and3A_897 : i32 to vector<1x128xi32>
    %eq3A_899 = arith.cmpi eq, %iota3A_688, %eq3A_898 : vector<1x128xi32>
    %jit3A_900 = arith.constant 0.000000e+00 : f32
    %broadcast_in_dim3A_901 = vector.broadcast %jit3A_900 : f32 to vector<1x128xf32>
    %select_n3A_902 = arith.select %eq3A_899, %get3A_895, %broadcast_in_dim3A_901 : vector<1x128xi1>, vector<1x128xf32>
    %reduce_sum3A_903 = arith.constant dense<0.000000e+00> : vector<1xf32>
    %reduce_sum3A_904 = vector.multi_reduction <add>, %select_n3A_902, %reduce_sum3A_903 [1] : vector<1x128xf32> to vector<1xf32>
    %broadcast_in_dim3A_905 = vector.shape_cast %reduce_sum3A_904 : vector<1xf32> to vector<1x1xf32>
    %mul3A_906 = arith.constant 16 : i32
    %mul3A_907 = arith.muli %arg0, %mul3A_906 : i32
    %add3A_908 = arith.constant 10 : i32
    %add3A_909 = arith.addi %mul3A_907, %add3A_908 : i32
    %get3A_910 = arith.index_cast %add3A_909 : i32 to index
    %get3A_911 = memref.load %arg2[%get3A_910] : memref<512xi32, #tpu.memory_space<smem>>
    %and3A_912 = arith.constant -128 : i32
    %and3A_913 = arith.andi %get3A_911, %and3A_912 : i32
    %multiple_of3A_914 = tpu.assume_multiple %and3A_913, 128 : i32
    %get3A_915 = arith.constant 10 : index
    %get3A_916 = arith.index_cast %multiple_of3A_914 : i32 to index
    %get3A_917 = vector.load %arg1[%get3A_915, %get3A_916] : memref<16x100096xf32, #tpu.memory_space<vmem>>, vector<1x128xf32>
    %and3A_918 = arith.constant 127 : i32
    %and3A_919 = arith.andi %get3A_911, %and3A_918 : i32
    %eq3A_920 = vector.broadcast %and3A_919 : i32 to vector<1x128xi32>
    %eq3A_921 = arith.cmpi eq, %iota3A_688, %eq3A_920 : vector<1x128xi32>
    %jit3A_922 = arith.constant 0.000000e+00 : f32
    %broadcast_in_dim3A_923 = vector.broadcast %jit3A_922 : f32 to vector<1x128xf32>
    %select_n3A_924 = arith.select %eq3A_921, %get3A_917, %broadcast_in_dim3A_923 : vector<1x128xi1>, vector<1x128xf32>
    %reduce_sum3A_925 = arith.constant dense<0.000000e+00> : vector<1xf32>
    %reduce_sum3A_926 = vector.multi_reduction <add>, %select_n3A_924, %reduce_sum3A_925 [1] : vector<1x128xf32> to vector<1xf32>
    %broadcast_in_dim3A_927 = vector.shape_cast %reduce_sum3A_926 : vector<1xf32> to vector<1x1xf32>
    %mul3A_928 = arith.constant 16 : i32
    %mul3A_929 = arith.muli %arg0, %mul3A_928 : i32
    %add3A_930 = arith.constant 11 : i32
    %add3A_931 = arith.addi %mul3A_929, %add3A_930 : i32
    %get3A_932 = arith.index_cast %add3A_931 : i32 to index
    %get3A_933 = memref.load %arg2[%get3A_932] : memref<512xi32, #tpu.memory_space<smem>>
    %and3A_934 = arith.constant -128 : i32
    %and3A_935 = arith.andi %get3A_933, %and3A_934 : i32
    %multiple_of3A_936 = tpu.assume_multiple %and3A_935, 128 : i32
    %get3A_937 = arith.constant 11 : index
    %get3A_938 = arith.index_cast %multiple_of3A_936 : i32 to index
    %get3A_939 = vector.load %arg1[%get3A_937, %get3A_938] : memref<16x100096xf32, #tpu.memory_space<vmem>>, vector<1x128xf32>
    %and3A_940 = arith.constant 127 : i32
    %and3A_941 = arith.andi %get3A_933, %and3A_940 : i32
    %eq3A_942 = vector.broadcast %and3A_941 : i32 to vector<1x128xi32>
    %eq3A_943 = arith.cmpi eq, %iota3A_688, %eq3A_942 : vector<1x128xi32>
    %jit3A_944 = arith.constant 0.000000e+00 : f32
    %broadcast_in_dim3A_945 = vector.broadcast %jit3A_944 : f32 to vector<1x128xf32>
    %select_n3A_946 = arith.select %eq3A_943, %get3A_939, %broadcast_in_dim3A_945 : vector<1x128xi1>, vector<1x128xf32>
    %reduce_sum3A_947 = arith.constant dense<0.000000e+00> : vector<1xf32>
    %reduce_sum3A_948 = vector.multi_reduction <add>, %select_n3A_946, %reduce_sum3A_947 [1] : vector<1x128xf32> to vector<1xf32>
    %broadcast_in_dim3A_949 = vector.shape_cast %reduce_sum3A_948 : vector<1xf32> to vector<1x1xf32>
    %mul3A_950 = arith.constant 16 : i32
    %mul3A_951 = arith.muli %arg0, %mul3A_950 : i32
    %add3A_952 = arith.constant 12 : i32
    %add3A_953 = arith.addi %mul3A_951, %add3A_952 : i32
    %get3A_954 = arith.index_cast %add3A_953 : i32 to index
    %get3A_955 = memref.load %arg2[%get3A_954] : memref<512xi32, #tpu.memory_space<smem>>
    %and3A_956 = arith.constant -128 : i32
    %and3A_957 = arith.andi %get3A_955, %and3A_956 : i32
    %multiple_of3A_958 = tpu.assume_multiple %and3A_957, 128 : i32
    %get3A_959 = arith.constant 12 : index
    %get3A_960 = arith.index_cast %multiple_of3A_958 : i32 to index
    %get3A_961 = vector.load %arg1[%get3A_959, %get3A_960] : memref<16x100096xf32, #tpu.memory_space<vmem>>, vector<1x128xf32>
    %and3A_962 = arith.constant 127 : i32
    %and3A_963 = arith.andi %get3A_955, %and3A_962 : i32
    %eq3A_964 = vector.broadcast %and3A_963 : i32 to vector<1x128xi32>
    %eq3A_965 = arith.cmpi eq, %iota3A_688, %eq3A_964 : vector<1x128xi32>
    %jit3A_966 = arith.constant 0.000000e+00 : f32
    %broadcast_in_dim3A_967 = vector.broadcast %jit3A_966 : f32 to vector<1x128xf32>
    %select_n3A_968 = arith.select %eq3A_965, %get3A_961, %broadcast_in_dim3A_967 : vector<1x128xi1>, vector<1x128xf32>
    %reduce_sum3A_969 = arith.constant dense<0.000000e+00> : vector<1xf32>
    %reduce_sum3A_970 = vector.multi_reduction <add>, %select_n3A_968, %reduce_sum3A_969 [1] : vector<1x128xf32> to vector<1xf32>
    %broadcast_in_dim3A_971 = vector.shape_cast %reduce_sum3A_970 : vector<1xf32> to vector<1x1xf32>
    %mul3A_972 = arith.constant 16 : i32
    %mul3A_973 = arith.muli %arg0, %mul3A_972 : i32
    %add3A_974 = arith.constant 13 : i32
    %add3A_975 = arith.addi %mul3A_973, %add3A_974 : i32
    %get3A_976 = arith.index_cast %add3A_975 : i32 to index
    %get3A_977 = memref.load %arg2[%get3A_976] : memref<512xi32, #tpu.memory_space<smem>>
    %and3A_978 = arith.constant -128 : i32
    %and3A_979 = arith.andi %get3A_977, %and3A_978 : i32
    %multiple_of3A_980 = tpu.assume_multiple %and3A_979, 128 : i32
    %get3A_981 = arith.constant 13 : index
    %get3A_982 = arith.index_cast %multiple_of3A_980 : i32 to index
    %get3A_983 = vector.load %arg1[%get3A_981, %get3A_982] : memref<16x100096xf32, #tpu.memory_space<vmem>>, vector<1x128xf32>
    %and3A_984 = arith.constant 127 : i32
    %and3A_985 = arith.andi %get3A_977, %and3A_984 : i32
    %eq3A_986 = vector.broadcast %and3A_985 : i32 to vector<1x128xi32>
    %eq3A_987 = arith.cmpi eq, %iota3A_688, %eq3A_986 : vector<1x128xi32>
    %jit3A_988 = arith.constant 0.000000e+00 : f32
    %broadcast_in_dim3A_989 = vector.broadcast %jit3A_988 : f32 to vector<1x128xf32>
    %select_n3A_990 = arith.select %eq3A_987, %get3A_983, %broadcast_in_dim3A_989 : vector<1x128xi1>, vector<1x128xf32>
    %reduce_sum3A_991 = arith.constant dense<0.000000e+00> : vector<1xf32>
    %reduce_sum3A_992 = vector.multi_reduction <add>, %select_n3A_990, %reduce_sum3A_991 [1] : vector<1x128xf32> to vector<1xf32>
    %broadcast_in_dim3A_993 = vector.shape_cast %reduce_sum3A_992 : vector<1xf32> to vector<1x1xf32>
    %mul3A_994 = arith.constant 16 : i32
    %mul3A_995 = arith.muli %arg0, %mul3A_994 : i32
    %add3A_996 = arith.constant 14 : i32
    %add3A_997 = arith.addi %mul3A_995, %add3A_996 : i32
    %get3A_998 = arith.index_cast %add3A_997 : i32 to index
    %get3A_999 = memref.load %arg2[%get3A_998] : memref<512xi32, #tpu.memory_space<smem>>
    %and3A_1000 = arith.constant -128 : i32
    %and3A_1001 = arith.andi %get3A_999, %and3A_1000 : i32
    %multiple_of3A_1002 = tpu.assume_multiple %and3A_1001, 128 : i32
    %get3A_1003 = arith.constant 14 : index
    %get3A_1004 = arith.index_cast %multiple_of3A_1002 : i32 to index
    %get3A_1005 = vector.load %arg1[%get3A_1003, %get3A_1004] : memref<16x100096xf32, #tpu.memory_space<vmem>>, vector<1x128xf32>
    %and3A_1006 = arith.constant 127 : i32
    %and3A_1007 = arith.andi %get3A_999, %and3A_1006 : i32
    %eq3A_1008 = vector.broadcast %and3A_1007 : i32 to vector<1x128xi32>
    %eq3A_1009 = arith.cmpi eq, %iota3A_688, %eq3A_1008 : vector<1x128xi32>
    %jit3A_1010 = arith.constant 0.000000e+00 : f32
    %broadcast_in_dim3A_1011 = vector.broadcast %jit3A_1010 : f32 to vector<1x128xf32>
    %select_n3A_1012 = arith.select %eq3A_1009, %get3A_1005, %broadcast_in_dim3A_1011 : vector<1x128xi1>, vector<1x128xf32>
    %reduce_sum3A_1013 = arith.constant dense<0.000000e+00> : vector<1xf32>
    %reduce_sum3A_1014 = vector.multi_reduction <add>, %select_n3A_1012, %reduce_sum3A_1013 [1] : vector<1x128xf32> to vector<1xf32>
    %broadcast_in_dim3A_1015 = vector.shape_cast %reduce_sum3A_1014 : vector<1xf32> to vector<1x1xf32>
    %mul3A_1016 = arith.constant 16 : i32
    %mul3A_1017 = arith.muli %arg0, %mul3A_1016 : i32
    %add3A_1018 = arith.constant 15 : i32
    %add3A_1019 = arith.addi %mul3A_1017, %add3A_1018 : i32
    %get3A_1020 = arith.index_cast %add3A_1019 : i32 to index
    %get3A_1021 = memref.load %arg2[%get3A_1020] : memref<512xi32, #tpu.memory_space<smem>>
    %and3A_1022 = arith.constant -128 : i32
    %and3A_1023 = arith.andi %get3A_1021, %and3A_1022 : i32
    %multiple_of3A_1024 = tpu.assume_multiple %and3A_1023, 128 : i32
    %get3A_1025 = arith.constant 15 : index
    %get3A_1026 = arith.index_cast %multiple_of3A_1024 : i32 to index
    %get3A_1027 = vector.load %arg1[%get3A_1025, %get3A_1026] : memref<16x100096xf32, #tpu.memory_space<vmem>>, vector<1x128xf32>
    %and3A_1028 = arith.constant 127 : i32
    %and3A_1029 = arith.andi %get3A_1021, %and3A_1028 : i32
    %eq3A_1030 = vector.broadcast %and3A_1029 : i32 to vector<1x128xi32>
    %eq3A_1031 = arith.cmpi eq, %iota3A_688, %eq3A_1030 : vector<1x128xi32>
    %jit3A_1032 = arith.constant 0.000000e+00 : f32
    %broadcast_in_dim3A_1033 = vector.broadcast %jit3A_1032 : f32 to vector<1x128xf32>
    %select_n3A_1034 = arith.select %eq3A_1031, %get3A_1027, %broadcast_in_dim3A_1033 : vector<1x128xi1>, vector<1x128xf32>
    %reduce_sum3A_1035 = arith.constant dense<0.000000e+00> : vector<1xf32>
    %reduce_sum3A_1036 = vector.multi_reduction <add>, %select_n3A_1034, %reduce_sum3A_1035 [1] : vector<1x128xf32> to vector<1xf32>
    %broadcast_in_dim3A_1037 = vector.shape_cast %reduce_sum3A_1036 : vector<1xf32> to vector<1x1xf32>
    %concatenate3A_1038 = tpu.concatenate %broadcast_in_dim3A_707, %broadcast_in_dim3A_729, %broadcast_in_dim3A_751, %broadcast_in_dim3A_773, %broadcast_in_dim3A_795, %broadcast_in_dim3A_817, %broadcast_in_dim3A_839, %broadcast_in_dim3A_861, %broadcast_in_dim3A_883, %broadcast_in_dim3A_905, %broadcast_in_dim3A_927, %broadcast_in_dim3A_949, %broadcast_in_dim3A_971, %broadcast_in_dim3A_993, %broadcast_in_dim3A_1015, %broadcast_in_dim3A_1037 in 0 : vector<1x1xf32>, vector<1x1xf32>, vector<1x1xf32>, vector<1x1xf32>, vector<1x1xf32>, vector<1x1xf32>, vector<1x1xf32>, vector<1x1xf32>, vector<1x1xf32>, vector<1x1xf32>, vector<1x1xf32>, vector<1x1xf32>, vector<1x1xf32>, vector<1x1xf32>, vector<1x1xf32>, vector<1x1xf32> -> vector<16x1xf32>
    %reduce_max3A_1039 = arith.constant dense<0xFF800000> : vector<16xf32>
    %reduce_max3A_1040 = vector.multi_reduction <maximumf>, %max3A_71, %reduce_max3A_1039 [1] : vector<16x128xf32> to vector<16xf32>
    %broadcast_in_dim3A_1041 = vector.shape_cast %reduce_max3A_1040 : vector<16xf32> to vector<16x1xf32>
    %sub3A_1042 = vector.broadcast %broadcast_in_dim3A_1041 : vector<16x1xf32> to vector<16x128xf32>
    %sub3A_1043 = arith.subf %max3A_71, %sub3A_1042 : vector<16x128xf32>
    %mul3A_1044 = arith.constant 1.44269502 : f32
    %mul3A_1045 = vector.broadcast %mul3A_1044 : f32 to vector<16x128xf32>
    %mul3A_1046 = arith.mulf %sub3A_1043, %mul3A_1045 : vector<16x128xf32>
    %exp23A_1047 = math.exp2 %mul3A_1046 : vector<16x128xf32>
    %mul3A_1048 = arith.mulf %add3A_687, %exp23A_1047 : vector<16x128xf32>
    %reduce_sum3A_1049 = arith.constant dense<0.000000e+00> : vector<16xf32>
    %reduce_sum3A_1050 = vector.multi_reduction <add>, %mul3A_1048, %reduce_sum3A_1049 [1] : vector<16x128xf32> to vector<16xf32>
    %broadcast_in_dim3A_1051 = vector.shape_cast %reduce_sum3A_1050 : vector<16xf32> to vector<16x1xf32>
    %swap3A = arith.constant 0 : index
    %swap3A_1052 = arith.constant 0 : index
    %swap3A_1053 = arith.constant 0 : index
    %swap3A_1054 = vector.load %arg3[%swap3A, %swap3A_1052, %swap3A_1053] : memref<1x16x1xf32, #tpu.memory_space<vmem>>, vector<1x16x1xf32>
    %swap3A_1055 = vector.shape_cast %swap3A_1054 : vector<1x16x1xf32> to vector<16x1xf32>
    %swap3A_1056 = vector.shape_cast %concatenate3A_1038 : vector<16x1xf32> to vector<1x16x1xf32>
    tpu.vector_store %arg3[%swap3A, %swap3A_1052, %swap3A_1053], %swap3A_1056 {strides = array<i32>} : memref<1x16x1xf32, #tpu.memory_space<vmem>>, vector<1x16x1xf32>,
    %swap3A_1057 = arith.constant 0 : index
    %swap3A_1058 = arith.constant 0 : index
    %swap3A_1059 = arith.constant 0 : index
    %swap3A_1060 = vector.load %arg4[%swap3A_1057, %swap3A_1058, %swap3A_1059] : memref<1x16x1xf32, #tpu.memory_space<vmem>>, vector<1x16x1xf32>
    %swap3A_1061 = vector.shape_cast %swap3A_1060 : vector<1x16x1xf32> to vector<16x1xf32>
    %swap3A_1062 = vector.shape_cast %broadcast_in_dim3A_1041 : vector<16x1xf32> to vector<1x16x1xf32>
    tpu.vector_store %arg4[%swap3A_1057, %swap3A_1058, %swap3A_1059], %swap3A_1062 {strides = array<i32>} : memref<1x16x1xf32, #tpu.memory_space<vmem>>, vector<1x16x1xf32>,
    %swap3A_1063 = arith.constant 0 : index
    %swap3A_1064 = arith.constant 0 : index
    %swap3A_1065 = arith.constant 0 : index
    %swap3A_1066 = vector.load %arg5[%swap3A_1063, %swap3A_1064, %swap3A_1065] : memref<1x16x1xf32, #tpu.memory_space<vmem>>, vector<1x16x1xf32>
    %swap3A_1067 = vector.shape_cast %swap3A_1066 : vector<1x16x1xf32> to vector<16x1xf32>
    %swap3A_1068 = vector.shape_cast %broadcast_in_dim3A_1051 : vector<16x1xf32> to vector<1x16x1xf32>
    tpu.vector_store %arg5[%swap3A_1063, %swap3A_1064, %swap3A_1065], %swap3A_1068 {strides = array<i32>} : memref<1x16x1xf32, #tpu.memory_space<vmem>>, vector<1x16x1xf32>,
    %swap3A_1069 = arith.constant 0 : index
    %swap3A_1070 = arith.constant 0 : index
    %swap3A_1071 = arith.constant 0 : index
    %swap3A_1072 = vector.load %arg6[%swap3A_1069, %swap3A_1070, %swap3A_1071] : memref<1x16x1xf32, #tpu.memory_space<vmem>>, vector<1x16x1xf32>
    %swap3A_1073 = vector.shape_cast %swap3A_1072 : vector<1x16x1xf32> to vector<16x1xf32>
    %swap3A_1074 = vector.shape_cast %broadcast_in_dim3A_93 : vector<16x1xf32> to vector<1x16x1xf32>
    tpu.vector_store %arg6[%swap3A_1069, %swap3A_1070, %swap3A_1071], %swap3A_1074 {strides = array<i32>} : memref<1x16x1xf32, #tpu.memory_space<vmem>>, vector<1x16x1xf32>,
    %swap3A_1075 = arith.constant 0 : index
    %swap3A_1076 = arith.constant 0 : index
    %swap3A_1077 = arith.constant 0 : index
    %swap3A_1078 = vector.load %arg7[%swap3A_1075, %swap3A_1076, %swap3A_1077] : memref<1x16x1xf32, #tpu.memory_space<vmem>>, vector<1x16x1xf32>
    %swap3A_1079 = vector.shape_cast %swap3A_1078 : vector<1x16x1xf32> to vector<16x1xf32>
    %swap3A_1080 = vector.shape_cast %broadcast_in_dim3A_220 : vector<16x1xf32> to vector<1x16x1xf32>
    tpu.vector_store %arg7[%swap3A_1075, %swap3A_1076, %swap3A_1077], %swap3A_1080 {strides = array<i32>} : memref<1x16x1xf32, #tpu.memory_space<vmem>>, vector<1x16x1xf32>,
    %swap3A_1081 = arith.constant 0 : index
    %swap3A_1082 = arith.constant 0 : index
    %swap3A_1083 = arith.constant 0 : index
    %swap3A_1084 = vector.load %arg8[%swap3A_1081, %swap3A_1082, %swap3A_1083] : memref<1x16x1xf32, #tpu.memory_space<vmem>>, vector<1x16x1xf32>
    %swap3A_1085 = vector.shape_cast %swap3A_1084 : vector<1x16x1xf32> to vector<16x1xf32>
    %swap3A_1086 = vector.shape_cast %broadcast_in_dim3A_348 : vector<16x1xf32> to vector<1x16x1xf32>
    tpu.vector_store %arg8[%swap3A_1081, %swap3A_1082, %swap3A_1083], %swap3A_1086 {strides = array<i32>} : memref<1x16x1xf32, #tpu.memory_space<vmem>>, vector<1x16x1xf32>,
    %swap3A_1087 = arith.constant 0 : index
    %swap3A_1088 = arith.constant 0 : index
    %swap3A_1089 = arith.constant 0 : index
    %swap3A_1090 = vector.load %arg9[%swap3A_1087, %swap3A_1088, %swap3A_1089] : memref<1x16x1xf32, #tpu.memory_space<vmem>>, vector<1x16x1xf32>
    %swap3A_1091 = vector.shape_cast %swap3A_1090 : vector<1x16x1xf32> to vector<16x1xf32>
    %swap3A_1092 = vector.shape_cast %broadcast_in_dim3A_476 : vector<16x1xf32> to vector<1x16x1xf32>
    tpu.vector_store %arg9[%swap3A_1087, %swap3A_1088, %swap3A_1089], %swap3A_1092 {strides = array<i32>} : memref<1x16x1xf32, #tpu.memory_space<vmem>>, vector<1x16x1xf32>,
    %swap3A_1093 = arith.constant 0 : index
    %swap3A_1094 = arith.constant 0 : index
    %swap3A_1095 = arith.constant 0 : index
    %swap3A_1096 = vector.load %arg10[%swap3A_1093, %swap3A_1094, %swap3A_1095] : memref<1x16x1xf32, #tpu.memory_space<vmem>>, vector<1x16x1xf32>
    %swap3A_1097 = vector.shape_cast %swap3A_1096 : vector<1x16x1xf32> to vector<16x1xf32>
    %swap3A_1098 = vector.shape_cast %broadcast_in_dim3A_604 : vector<16x1xf32> to vector<1x16x1xf32>
    tpu.vector_store %arg10[%swap3A_1093, %swap3A_1094, %swap3A_1095], %swap3A_1098 {strides = array<i32>} : memref<1x16x1xf32, #tpu.memory_space<vmem>>, vector<1x16x1xf32>,
    return
  }
  func.func @transform_0(%arg0: i32) -> (i32, i32) {
    %c0_i32 = arith.constant 0 : i32
    %c0_i32_0 = arith.constant 0 : i32
    return %arg0, %c0_i32 : i32, i32
  }
  func.func @transform_1(%arg0: i32) -> i32 {
    %c0_i32 = arith.constant 0 : i32
    %c0_i32_0 = arith.constant 0 : i32
    return %c0_i32 : i32
  }
  func.func @transform_2(%arg0: i32) -> (i32, i32, i32) {
    %c0_i32 = arith.constant 0 : i32
    %c0_i32_0 = arith.constant 0 : i32
    %c0_i32_1 = arith.constant 0 : i32
    return %arg0, %c0_i32, %c0_i32_0 : i32, i32, i32
  }
  func.func @transform_3(%arg0: i32) -> (i32, i32, i32) {
    %c0_i32 = arith.constant 0 : i32
    %c0_i32_0 = arith.constant 0 : i32
    %c0_i32_1 = arith.constant 0 : i32
    return %arg0, %c0_i32, %c0_i32_0 : i32, i32, i32
  }
  func.func @transform_4(%arg0: i32) -> (i32, i32, i32) {
    %c0_i32 = arith.constant 0 : i32
    %c0_i32_0 = arith.constant 0 : i32
    %c0_i32_1 = arith.constant 0 : i32
    return %arg0, %c0_i32, %c0_i32_0 : i32, i32, i32
  }
  func.func @transform_5(%arg0: i32) -> (i32, i32, i32) {
    %c0_i32 = arith.constant 0 : i32
    %c0_i32_0 = arith.constant 0 : i32
    %c0_i32_1 = arith.constant 0 : i32
    return %arg0, %c0_i32, %c0_i32_0 : i32, i32, i32
  }
  func.func @transform_6(%arg0: i32) -> (i32, i32, i32) {
    %c0_i32 = arith.constant 0 : i32
    %c0_i32_0 = arith.constant 0 : i32
    %c0_i32_1 = arith.constant 0 : i32
    return %arg0, %c0_i32, %c0_i32_0 : i32, i32, i32
  }
  func.func @transform_7(%arg0: i32) -> (i32, i32, i32) {
    %c0_i32 = arith.constant 0 : i32
    %c0_i32_0 = arith.constant 0 : i32
    %c0_i32_1 = arith.constant 0 : i32
    return %arg0, %c0_i32, %c0_i32_0 : i32, i32, i32
  }
  func.func @transform_8(%arg0: i32) -> (i32, i32, i32) {
    %c0_i32 = arith.constant 0 : i32
    %c0_i32_0 = arith.constant 0 : i32
    %c0_i32_1 = arith.constant 0 : i32
    return %arg0, %c0_i32, %c0_i32_0 : i32, i32, i32
  }
  func.func @transform_9(%arg0: i32) -> (i32, i32, i32) {
    %c0_i32 = arith.constant 0 : i32
    %c0_i32_0 = arith.constant 0 : i32
    %c0_i32_1 = arith.constant 0 : i32
    return %arg0, %c0_i32, %c0_i32_0 : i32, i32, i32
  }
}

</mosaic_0001>

<sc_bundles>
// kernel: kernel.5.cloned.1.call-start
scs
__scs_entry_jumppad:
0x0: {  	(pc) =	sbr.rel $0x88, $3  }
0x1: {  	(tag) =	ssettag $0x0;
	lr =	simm.s32 $0x1  }
0x2: {  	[smem:$0x3F9F] =	sst lr;
	_ =	strace $0xD0000000  }
0x3: {  	_ = 	snop  }
0x4: {  	_ = 	snop  }
0x5: {  	_ = 	snop  }
0x6: {  	_ = 	snop  }
0x7: {  	_ = 	snop  }
__scs_overlays_trampoline_lowered:
0x8: {  	[smem:$0x3FAE] =	sst s0  }
0x9: {  	[smem:$0x3FAF] =	sst s1  }
0xa: {  	[smem:$0x3FB0] =	sst s2  }
0xb: {  	[smem:$0x3FB1] =	sst s3  }
0xc: {  	[smem:$0x3FB2] =	sst s4  }
0xd: {  	[smem:$0x3FB3] =	sst s5  }
0xe: {  	[smem:$0x3FB4] =	sst s6  }
0xf: {  	[smem:$0x3FB5] =	sst s7  }
0x10: {  	[smem:$0x3FB6] =	sst s8  }
0x11: {  	[smem:$0x3FB7] =	sst s9;
	s0 =	simm.s32 @!p0 $0x0  }
0x12: {  	s1 =	sld [smem:$0x3F9D];
	s0 =	simm.s32 @p0 $0x1  }
0x13: {  	[smem:$0x3FB8] =	sst s0;
	s0 =	simm.s32 @!p1 $0x0  }
0x14: {  	s2 =	sld [smem:$0x3F9C];
	s0 =	simm.s32 @p1 $0x1  }
0x15: {  	[smem:$0x3FB9] =	sst s0;
	s0 =	simm.s32 @!p2 $0x0  }
0x16: {  	s3 =	sld [smem:$0x3FDB];
	s0 =	simm.s32 @p2 $0x1  }
0x17: {  	s4 =	simm.s32 $0x1BF5;
	[smem:$0x3FBB] =	sst s0  }
0x18: {  	s0 =	sld [smem:$0x3F9E];
	_ =	swait.ge [sflag:s4], $0x0  }
0x19: {  	s7 =	sld [smem:$0x3F9F]  }
0x1a: {  	s8 =	sadd.s32 $0xFFFFE003, lr  }
0x1b: {  	s9 =	sadd.s32 $0xFFFFFEF7, lr;
	s5 =	simm.s32 $0xFFFFFFFF;
	p2 =	slt.u32 s8, $0xFFFFF086  }
0x1c: {  	p1 =	slt.u32 s9, $0xF7A;
	s5 =	simm.s32 @!p2 $0x0  }
0x1d: {  	s5 =	simm.s32 @p1 $0x1;
	p0 =	seq.s32 s7, s2  }
0x1e: {  	s7 =	smul.u32 @!p0 $0xF7A, s2;
	p2 =	seq.s32 @!p0 s5, $0x0  }
0x1f: {  	s9 =	smul.u32 $0xF7A, s1;
	s8 =	simm.s32 @!p0 $0x1BF5;
	p2 =	por !p2, p0  }
0x20: {  	[sflag:s8] =	ssyncset.s32 @!p0 $0xFFFFF086;
	s6 =	sadd.s32 @!p0 s3, s7;
	s7 =	simm.s32 @!p0 $0x108  }
0x21: {  	s3 =	sadd.s32 s3, s9;
	s6 =	sadd.s32 @!p0 $0x88, s6;
	s7 =	simm.s32 @p2 $0x1082  }
0x22: {  	[simem:s7], [sflag:s8] =	dma.local @!p0 [hbm:s6], $0xF7A  }
0x23: {  	s9 =	sor.u32 $0xD0000000, s2;
	s6 =	simm.s32 $0x108;
	_ =	swait.ge @!p0 [sflag:s8], $0x0  }
0x24: {  	s3 =	sadd.s32 $0x88, s3;
	s6 =	simm.s32 @!p1 $0x1082;
	[sflag:s4] =	ssyncset.s32 $0xFFFFF086  }
0x25: {  	[simem:s6], [sflag:s4] =	dma.local [hbm:s3], $0xF7A  }
0x26: {  	[smem:$0x3F9F] =	sst s1;
	(tag) =	ssettag s2;
	_ =	strace s9  }
0x27: {  	s1 =	sld [smem:$0x3FAF]  }
0x28: {  	s2 =	sld [smem:$0x3FB0]  }
0x29: {  	s4 =	sld [smem:$0x3FB2]  }
0x2a: {  	p0 =	seq.s32 s5, $0x0;
	s5 =	sld [smem:$0x3FB3]  }
0x2b: {  	s6 =	sld [smem:$0x3FB4]  }
0x2c: {  	s7 =	sld [smem:$0x3FB5]  }
0x2d: {  	s3 =	simm.s32 $0x108;
	s8 =	sld [smem:$0x3FB6]  }
0x2e: {  	s3 =	simm.s32 @!p0 $0x1082;
	s9 =	sld [smem:$0x3FB7]  }
0x2f: {  	lr =	sadd.s32 s0, s3;
	s0 =	sld [smem:$0x3FAE]  }
0x30: {  	s3 =	sld [smem:$0x3FB1]  }
0x31: {  	[smem:$0x3FBA] =	sst s10  }
0x32: {  	s10 =	sld [smem:$0x3FB8];
	_ =	sdelay $0x3  }
0x33: {  	p0 =	seq.s32 s10, $0x1;
	s10 =	sld [smem:$0x3FBA];
	_ =	sdelay $0x3  }
0x34: {  	[smem:$0x3FBA] =	sst s10  }
0x35: {  	s10 =	sld [smem:$0x3FB9];
	_ =	sdelay $0x3  }
0x36: {  	p1 =	seq.s32 s10, $0x1;
	s10 =	sld [smem:$0x3FBA];
	_ =	sdelay $0x3  }
0x37: {  	[smem:$0x3FBA] =	sst s10  }
0x38: {  	s10 =	sld [smem:$0x3FBB]  }
0x39: {  	_ = 	snop;
	(pc) =	sbr.ind lr, $3  }
0x3a: {  	_ = 	snop  }
0x3b: {  	_ = 	snop  }
0x3c: {  	p2 =	seq.s32 s10, $0x1;
	s10 =	sld [smem:$0x3FBA]  }
0x3d: {  	_ =	shalt  }
0x3e: {  	_ =	shalt  }
0x3f: {  	_ =	shalt  }
0x40: {  	_ =	shalt  }
0x41: {  	_ =	shalt  }
0x42: {  	_ =	shalt  }
0x43: {  	_ =	shalt  }
0x44: {  	_ =	shalt  }
0x45: {  	_ =	shalt  }
0x46: {  	_ =	shalt  }
0x47: {  	_ =	shalt  }
0x48: {  	_ =	shalt  }
0x49: {  	_ =	shalt  }
0x4a: {  	_ =	shalt  }
0x4b: {  	_ =	shalt  }
0x4c: {  	_ =	shalt  }
0x4d: {  	_ =	shalt  }
0x4e: {  	_ =	shalt  }
0x4f: {  	_ =	shalt  }
0x50: {  	_ =	shalt  }
0x51: {  	_ =	shalt  }
0x52: {  	_ =	shalt  }
0x53: {  	_ =	shalt  }
0x54: {  	_ =	shalt  }
0x55: {  	_ =	shalt  }
0x56: {  	_ =	shalt  }
0x57: {  	_ =	shalt  }
0x58: {  	_ =	shalt  }
0x59: {  	_ =	shalt  }
0x5a: {  	_ =	shalt  }
0x5b: {  	_ =	shalt  }
0x5c: {  	_ =	shalt  }
0x5d: {  	_ =	shalt  }
0x5e: {  	_ =	shalt  }
0x5f: {  	_ =	shalt  }
0x60: {  	_ =	shalt  }
0x61: {  	_ =	shalt  }
0x62: {  	_ =	shalt  }
0x63: {  	_ =	shalt  }
0x64: {  	_ =	shalt  }
0x65: {  	_ =	shalt  }
0x66: {  	_ =	shalt  }
0x67: {  	_ =	shalt  }
0x68: {  	_ =	shalt  }
0x69: {  	_ =	shalt  }
0x6a: {  	_ =	shalt  }
0x6b: {  	_ =	shalt  }
0x6c: {  	_ =	shalt  }
0x6d: {  	_ =	shalt  }
0x6e: {  	_ =	shalt  }
0x6f: {  	_ =	shalt  }
0x70: {  	_ =	shalt  }
0x71: {  	_ =	shalt  }
0x72: {  	_ =	shalt  }
0x73: {  	_ =	shalt  }
0x74: {  	_ =	shalt  }
0x75: {  	_ =	shalt  }
0x76: {  	_ =	shalt  }
0x77: {  	_ =	shalt  }
0x78: {  	_ =	shalt  }
0x79: {  	_ =	shalt  }
0x7a: {  	_ =	shalt  }
0x7b: {  	_ =	shalt  }
0x7c: {  	_ =	shalt  }
0x7d: {  	_ =	shalt  }
0x7e: {  	_ =	shalt  }
0x7f: {  	_ =	shalt  }
0x80: {  	_ =	shalt  }
0x81: {  	_ =	shalt  }
0x82: {  	_ =	shalt  }
0x83: {  	_ =	shalt  }
0x84: {  	_ =	shalt  }
0x85: {  	_ =	shalt  }
0x86: {  	_ =	shalt  }
0x87: {  	_ =	shalt  }
.Lfunc_end0:
.L_simem_size_0:
called_computation_lowered:
.L_overlay_start_0:
0x88: {  	s2 =	sld [smem:$0x3FD9]  }
0x89: {  	s3 =	sld [smem:$0x3FFE];
	_ =	sdelay $0x1  }
0x8a: {  	s1 =	srdreg.scid  }
0x8b: {  	s0 =	sand.u32 $0x1, s1  }
0x8c: {  	s16 =	sshll.u32 s0, $0xA;
	s2 =	sadd.s32 s3, s2  }
0x8d: {  	s2 =	sadd.s32 s2, s16  }
0x8e: {  	[smem:$0x3FC6] =	sst s2  }
0x8f: {  	_ = 	snop  }
0x90: {  	(tm) =	ssettm $0x1  }
0x91: {  	s17 =	sld [smem:$0x3FFB];
	_ =	sdelay $0x3  }
0x92: {  	_ =	strace s17  }
0x93: {  	s2 =	sld [smem:$0x3FFC];
	_ =	sdelay $0x3  }
0x94: {  	_ =	strace s2  }
0x95: {  	s2 =	sld [smem:$0x3FFD];
	_ =	sdelay $0x3  }
0x96: {  	_ =	strace s2  }
0x97: {  	_ =	strace $0x8FFFFFFF  }
0x98: {  	s18 =	sld [smem:$0x3FDB];
	_ =	sdelay $0x1  }
0x99: {  	s19 =	simm.s32 $_scs_section_size  }
0x9a: {  	s4 =	simm.s32 $_size__tile_overlayer_lowered;
	s5 =	simm.s32 $_tile_overlayer_lowered  }
0x9b: {  	s22 =	simm.s32 $0x1BFF;
	s21 =	sshll.u32 s5, $0x1;
	s2 =	sadd.s32 s19, s18  }
0x9c: {  	s6 =	simm.s32 $0x0;
	s20 =	sshll.u32 s4, $0x1;
	s4 =	sadd.s32 s21, s2  }
0x9d: {  	[timem:s6], [sflag:s22] =	dma.local [hbm:s4], s20  }
0x9e: {  	_ =	swait.ge [sflag:s22], s20  }
0x9f: {  	s3 =	ssub.s32 $0x0, s20;
	[sflag:s22] =	ssyncset.done $0x0  }
0xa0: {  	[sflag:s22] =	ssyncadd.s32 s3;
	_ =	sdelay $0x1  }
0xa1: {  	s23 =	simm.s32 $0x1B8B  }
0xa2: {  	_ =	swait.ge [sflag:s23], $0x1  }
0xa3: {  	[sflag:s23] =	ssyncset.done $0x0  }
0xa4: {  	s25 =	simm.s32 $0x1B8E;
	s24 =	sld [smem:$0x3FFE];
	[sflag:s23] =	ssyncadd.s32 $0xFFFFFFFF  }
0xa5: {  	s26 =	simm.s32 $execute0_lowered;
	[smem:$0x3FD2] =	sst s25  }
0xa6: {  	s4 =	sshll.u32 s26, $0x1;
	_ =	strace $0x80000046;
	[dreg:$0x1] =	wrdreg $0xFFFFFFFF  }
0xa7: {  	s28 =	simm.s32 $_size_execute0_lowered;
	s2 =	sadd.s32 s2, s4;
	[dreg:$0x0] =	wrdreg $0x0  }
0xa8: {  	s4 =	sshll.u32 s28, $0x1;
	[dreg:$0x2] =	wrdreg s2  }
0xa9: {  	[dreg:$0x3] =	wrdreg s4  }
0xaa: {  	[dreg:$0x4] =	wrdreg $0xC0  }
0xab: {  	_ =	task [dreg:s6], $0x5FFFF  }
0xac: {  	[dreg:$0x1] =	wrdreg $0xFFFFFFFF  }
0xad: {  	[dreg:$0x0] =	wrdreg $0x60  }
0xae: {  	[dreg:$0x2] =	wrdreg s24  }
0xaf: {  	[dreg:$0x3] =	wrdreg $0x9  }
0xb0: {  	_ =	task.clear_ibuf [dreg:s6], $0x4FFFF;
	_ =	strace $0x90000046  }
0xb1: {  	s29 =	simm.s32 $0x9;
	_ =	strace $0x80000048  }
0xb2: {  	_ =	swait.ge [sflag:s29], $0x1  }
0xb3: {  	[sflag:s29] =	ssyncadd.s32 $0xFFFFFFFF  }
0xb4: {  	_ =	strace $0x90000048  }
0xb5: {  	_ =	sfence  }
0xb6: {  	s30 =	sld [smem:$0x0];
	_ =	sdelay $0x2  }
0xb7: {  	s31 =	sshll.u32 s1, $0xD;
	s1 =	sshrl.u32 s1, $0x2  }
0xb8: {  	s3 =	sand.u32 $0x4000, s31;
	s1 =	sadd.s32 s1, s30  }
0xb9: {  	s0 =	sor.u32 s3, s0;
	s1 =	sshll.u32 s1, $0x11  }
0xba: {  	s0 =	sor.u32 s1, s0  }
0xbb: {  	s0 =	sadd.s32 $0x8F2B, s0  }
0xbc: {  	[sflag:s0] =	ssyncadd.remote.s32 $0x1  }
0xbd: {  	_ =	sfence.sel $0xFFFF  }
0xbe: {  	[dreg:$0x0] =	wrdreg $0xFFFFFFFF;
	(pc) =	sbr.abs _section_cstart, $3  }
0xbf: {  	[dreg:$0x1] =	wrdreg $0xFFFFFFFF  }
0xc0: {  	_ =	task.clear_ibuf [dreg:s6], $0x2FFFF;
	_ =	strace $0x9FFFFFFF  }
0xc1: {  	(tm) =	ssettm $0x7FFFFFFF  }
tec
execute0_lowered:
.L_overlay_start_1:
0x0: {  	(tag) =	ssettag $0x1  }
0x1: {  	s3 =	rddreg [dreg:$0x0];
	s2 =	srdreg.scid  }
0x2: {  	s0 =	rddreg [dreg:$0x1];
	s1 =	stileid.u32;
	s7 =	sand.u32 $0x1, s2  }
0x3: {  	s2 =	simm.s32 $0x0;
	s4 =	sshll.u32 s1, $0x2;
	s5 =	sshll.u32 s7, $0x1  }
0x4: {  	[smem:$0x7FF] =	sst s2;
	s4 =	sor.u32 s5, s4  }
0x5: {  	_ =	strace $0x80000047;
	s4 =	sadd.s32 s3, s4;
	s3 =	simm.s32 $0x1  }
0x6: {  	[tilespmem:s2], [sflag:$0x1] =	stream.linear.gather [hbm4b:s4+s2], $0x10, $0x38;
	[tilespmem:$0x480] =	vst v63  }
0x7: {  	_ =	swait.ge [sflag:s3], $0x10  }
0x8: {  	[sflag:s3] =	ssyncset.done $0x0  }
0x9: {  	s6 =	simm.s32 $0x80;
	s5 =	sadd.s32 $0x200, s4;
	[sflag:s3] =	ssyncadd.s32 $0xFFFFFFF0  }
0xa: {  	[tilespmem:s6], [sflag:$0x1] =	stream.linear.gather [hbm4b:s5+s2], $0x10, $0x38;
	[tilespmem:$0x480] =	vst v63  }
0xb: {  	_ =	swait.ge [sflag:s3], $0x10  }
0xc: {  	[sflag:s3] =	ssyncset.done $0x0  }
0xd: {  	s9 =	simm.s32 $0x100;
	s8 =	sadd.s32 $0x400, s4;
	[sflag:s3] =	ssyncadd.s32 $0xFFFFFFF0  }
0xe: {  	[tilespmem:s9], [sflag:$0x1] =	stream.linear.gather [hbm4b:s8+s2], $0x10, $0x38;
	[tilespmem:$0x480] =	vst v63  }
0xf: {  	_ =	swait.ge [sflag:s3], $0x10  }
0x10: {  	[sflag:s3] =	ssyncset.done $0x0  }
0x11: {  	s12 =	simm.s32 $0x180;
	s11 =	sadd.s32 $0x600, s4;
	[sflag:s3] =	ssyncadd.s32 $0xFFFFFFF0  }
0x12: {  	[tilespmem:s12], [sflag:$0x1] =	stream.linear.gather [hbm4b:s11+s2], $0x10, $0x38;
	[tilespmem:$0x480] =	vst v63  }
0x13: {  	_ =	swait.ge [sflag:s3], $0x10  }
0x14: {  	[sflag:s3] =	ssyncset.done $0x0  }
0x15: {  	s14 =	simm.s32 $0x200;
	s13 =	sadd.s32 $0x800, s4;
	[sflag:s3] =	ssyncadd.s32 $0xFFFFFFF0  }
0x16: {  	[tilespmem:s14], [sflag:$0x1] =	stream.linear.gather [hbm4b:s13+s2], $0x10, $0x38;
	[tilespmem:$0x480] =	vst v63  }
0x17: {  	_ =	swait.ge [sflag:s3], $0x10  }
0x18: {  	[sflag:s3] =	ssyncset.done $0x0  }
0x19: {  	s16 =	simm.s32 $0x280;
	s15 =	sadd.s32 $0xA00, s4;
	[sflag:s3] =	ssyncadd.s32 $0xFFFFFFF0  }
0x1a: {  	[tilespmem:s16], [sflag:$0x1] =	stream.linear.gather [hbm4b:s15+s2], $0x10, $0x38;
	[tilespmem:$0x480] =	vst v63  }
0x1b: {  	_ =	swait.ge [sflag:s3], $0x10  }
0x1c: {  	[sflag:s3] =	ssyncset.done $0x0  }
0x1d: {  	s18 =	simm.s32 $0x300;
	s17 =	sadd.s32 $0xE00, s4;
	[sflag:s3] =	ssyncadd.s32 $0xFFFFFFF0  }
0x1e: {  	[tilespmem:s18], [sflag:$0x1] =	stream.linear.gather [hbm4b:s17+s2], $0x10, $0x38;
	[tilespmem:$0x480] =	vst v63  }
0x1f: {  	_ =	swait.ge [sflag:s3], $0x10  }
0x20: {  	s20 =	simm.s32 $0x380;
	[sflag:s3] =	ssyncset.done $0x0  }
0x21: {  	s7 =	ssub.s32 $0x2, s7;
	s19 =	sadd.s32 $0xC00, s4;
	[sflag:s3] =	ssyncadd.s32 $0xFFFFFFF0  }
0x22: {  	[tilespmem:s20], [sflag:$0x1] =	stream.linear.gather [hbm4b:s19+s2], $0x10, $0x38;
	[tilespmem:$0x480] =	vst v63  }
0x23: {  	s10 =	sshrl.u32 s7, $0x1;
	_ =	swait.ge [sflag:s3], $0x10  }
0x24: {  	s7 =	ssub.s32 s7, s10;
	[sflag:s3] =	ssyncset.done $0x0  }
0x25: {  	s21 =	smax.u32 s7, $0x1;
	[sflag:s3] =	ssyncadd.s32 $0xFFFFFFF0  }
0x26: {  	p0 =	sne.s32 s21, $0x1;
	v4 =	vld [tilespmem:$0x200]  }
.Ltmp0:
0x27: {  	v1 =	vld [tilespmem:$0x80];
	(pc) =	sbr.rel @!p0 .LBB2_2-.Ltmp0, $4  }
0x28: {  	v6 =	vld [tilespmem:$0x180]  }
0x29: {  	v3 =	vld [tilespmem:$0x300]  }
0x2a: {  	v5 =	vld [tilespmem:$0x280]  }
0x2b: {  	v0 =	vimm.f32 $0.0e+00;
	s10 =	simm.s32 $0x400;
	s7 =	sadd.s32 $0x1000, s4;
	s21 =	sadd.s32 $0xFFFFFFFF, s21;
	v2 =	vld [tilespmem:$0x100]  }
.LBB2_1:
0x2c: {  	p0 =	sne.s32 s21, $0x1;
	s21 =	sadd.s32 $0xFFFFFFFF, s21  }
0x2d: {  	v4 =	vsub.f32 v4, v1;
	v7 =	vld [tilespmem:$0x380];
	v6 =	vsub.f32 v6, v1  }
0x2e: {  	v8 =	vld [tilespmem:$0x0]  }
0x2f: {  	v4 =	vmul.f32 $1.442695020e+00, v4;
	v6 =	vmul.f32 $1.442695020e+00, v6;
	v5 =	vsub.f32 v5, v1;
	_ =	sdelay $0x1  }
0x30: {  	v3 =	vsub.f32 v3, v1;
	v5 =	vmul.f32 $1.442695020e+00, v5;
	(erf) = vpow2.f32 v6  }
0x31: {  	v6 =	vsub.f32 v7, v1;
	(erf) = vpow2.f32 v4  }
0x32: {  	v3 =	vmul.f32 $1.442695020e+00, v3;
	v1 =	vsub.f32 v8, v1;
	(erf) = vpow2.f32 v5  }
0x33: {  	vm0 =	vge.f32 v8, v7;
	v4 =	vmul.f32 $1.442695020e+00, v6;
	(erf) = vrcp.f32 v2  }
0x34: {  	v1 =	vmul.f32 $1.442695020e+00, v1;
	(erf) = vpow2.f32 v3  }
0x35: {  	(erf) = vpow2.f32 v4  }
0x36: {  	(erf) = vpow2.f32 v1;
	_ =	sdelay $0x2  }
0x37: {  	v1 =	vpop (erf)  }
0x38: {  	v2 =	vpop (erf)  }
0x39: {  	v1 =	vadd.f32 v2, v1;
	v2 =	vpop (erf)  }
0x3a: {  	v3 =	vpop (erf)  }
0x3b: {  	v1 =	vadd.f32 v2, v1;
	v2 =	vsel vm0, $0x3F800000, v0;
	v4 =	vpop (erf)  }
0x3c: {  	v5 =	vsub.f32 $5.000000000e+00, v2;
	v6 =	vpop (erf)  }
0x3d: {  	v1 =	vadd.f32 v4, v1;
	v4 =	vpop (erf)  }
0x3e: {  	v4 =	vmul.f32 v4, v3;
	(erf) = vrcp.f32 v5  }
0x3f: {  	v1 =	vadd.f32 v6, v1  }
0x40: {  	v2 =	vmul.f32 v2, v4  }
0x41: {  	v1 =	vmul.f32 v1, v3  }
0x42: {  	v3 =	vmul.f32 v5, v4  }
0x43: {  	v1 =	vsub.f32 v1, v2;
	_ =	sdelay $0x1  }
0x44: {  	v1 =	vsub.f32 v1, v3;
	_ =	sdelay $0x1  }
0x45: {  	v1 =	vadd.f32 $0.0e+00, v1;
	v2 =	vpop (erf);
	_ =	sdelay $0x1  }
0x46: {  	v1 =	vmul.f32 v1, v2;
	_ =	sdelay $0x1  }
0x47: {  	[tilespmem:$0x400] =	vst v1  }
0x48: {  	[hbm4b:s7+s2] =	stream.linear.scatter [tilespmem:s10], [sflag:$0x1], $0x10, $0x38;
	[tilespmem:$0x480] =	vst v63  }
0x49: {  	_ =	swait.ge [sflag:s3], $0x10  }
0x4a: {  	[sflag:s3] =	ssyncset.done $0x0  }
0x4b: {  	[sflag:s3] =	ssyncadd.s32 $0xFFFFFFF0  }
0x4c: {  	[tilespmem:s2], [sflag:$0x1] =	stream.linear.gather [hbm4b:s4+s2], $0x10, $0x38;
	[tilespmem:$0x480] =	vst v63  }
0x4d: {  	_ =	swait.ge [sflag:s3], $0x10  }
0x4e: {  	[sflag:s3] =	ssyncset.done $0x0  }
0x4f: {  	[sflag:s3] =	ssyncadd.s32 $0xFFFFFFF0  }
0x50: {  	[tilespmem:s6], [sflag:$0x1] =	stream.linear.gather [hbm4b:s5+s2], $0x10, $0x38;
	[tilespmem:$0x480] =	vst v63  }
0x51: {  	_ =	swait.ge [sflag:s3], $0x10  }
0x52: {  	[sflag:s3] =	ssyncset.done $0x0  }
0x53: {  	[sflag:s3] =	ssyncadd.s32 $0xFFFFFFF0  }
0x54: {  	[tilespmem:s9], [sflag:$0x1] =	stream.linear.gather [hbm4b:s8+s2], $0x10, $0x38;
	[tilespmem:$0x480] =	vst v63  }
0x55: {  	_ =	swait.ge [sflag:s3], $0x10  }
0x56: {  	[sflag:s3] =	ssyncset.done $0x0  }
0x57: {  	[sflag:s3] =	ssyncadd.s32 $0xFFFFFFF0  }
0x58: {  	[tilespmem:s12], [sflag:$0x1] =	stream.linear.gather [hbm4b:s11+s2], $0x10, $0x38;
	[tilespmem:$0x480] =	vst v63  }
0x59: {  	_ =	swait.ge [sflag:s3], $0x10  }
0x5a: {  	[sflag:s3] =	ssyncset.done $0x0  }
0x5b: {  	[sflag:s3] =	ssyncadd.s32 $0xFFFFFFF0  }
0x5c: {  	[tilespmem:s14], [sflag:$0x1] =	stream.linear.gather [hbm4b:s13+s2], $0x10, $0x38;
	[tilespmem:$0x480] =	vst v63  }
0x5d: {  	_ =	swait.ge [sflag:s3], $0x10  }
0x5e: {  	[sflag:s3] =	ssyncset.done $0x0  }
0x5f: {  	[sflag:s3] =	ssyncadd.s32 $0xFFFFFFF0  }
0x60: {  	[tilespmem:s16], [sflag:$0x1] =	stream.linear.gather [hbm4b:s15+s2], $0x10, $0x38;
	[tilespmem:$0x480] =	vst v63  }
0x61: {  	_ =	swait.ge [sflag:s3], $0x10  }
0x62: {  	[sflag:s3] =	ssyncset.done $0x0  }
0x63: {  	[sflag:s3] =	ssyncadd.s32 $0xFFFFFFF0  }
0x64: {  	[tilespmem:s18], [sflag:$0x1] =	stream.linear.gather [hbm4b:s17+s2], $0x10, $0x38;
	[tilespmem:$0x480] =	vst v63  }
0x65: {  	_ =	swait.ge [sflag:s3], $0x10  }
0x66: {  	[sflag:s3] =	ssyncset.done $0x0  }
0x67: {  	[sflag:s3] =	ssyncadd.s32 $0xFFFFFFF0  }
0x68: {  	[tilespmem:s20], [sflag:$0x1] =	stream.linear.gather [hbm4b:s19+s2], $0x10, $0x38;
	[tilespmem:$0x480] =	vst v63  }
0x69: {  	_ =	swait.ge [sflag:s3], $0x10  }
0x6a: {  	[sflag:s3] =	ssyncset.done $0x0  }
0x6b: {  	[sflag:s3] =	ssyncadd.s32 $0xFFFFFFF0  }
0x6c: {  	v4 =	vld [tilespmem:$0x200]  }
.Ltmp1:
0x6d: {  	v1 =	vld [tilespmem:$0x80];
	(pc) =	sbr.rel @p0 .LBB2_1-.Ltmp1, $4  }
0x6e: {  	v6 =	vld [tilespmem:$0x180]  }
0x6f: {  	v3 =	vld [tilespmem:$0x300]  }
0x70: {  	v5 =	vld [tilespmem:$0x280]  }
0x71: {  	v2 =	vld [tilespmem:$0x100]  }
.LBB2_2:
0x72: {  	_ = 	snop  }
0x73: {  	v6 =	vsub.f32 v6, v1  }
0x74: {  	v7 =	vld [tilespmem:$0x380];
	v4 =	vsub.f32 v4, v1  }
0x75: {  	v8 =	vld [tilespmem:$0x0];
	v6 =	vmul.f32 $1.442695020e+00, v6  }
0x76: {  	v4 =	vmul.f32 $1.442695020e+00, v4;
	v5 =	vsub.f32 v5, v1  }
0x77: {  	(erf) = vpow2.f32 v6  }
0x78: {  	v3 =	vsub.f32 v3, v1;
	v5 =	vmul.f32 $1.442695020e+00, v5;
	(erf) = vpow2.f32 v4  }
0x79: {  	v53 =	vsub.f32 v7, v1  }
0x7a: {  	v3 =	vmul.f32 $1.442695020e+00, v3;
	v54 =	vsub.f32 v8, v1;
	(erf) = vpow2.f32 v5  }
0x7b: {  	v4 =	vmul.f32 $1.442695020e+00, v53;
	(erf) = vrcp.f32 v2  }
0x7c: {  	v1 =	vmul.f32 $1.442695020e+00, v54;
	(erf) = vpow2.f32 v3  }
0x7d: {  	(erf) = vpow2.f32 v4  }
0x7e: {  	(erf) = vpow2.f32 v1;
	_ =	sdelay $0x1  }
0x7f: {  	v55 =	vpop (erf)  }
0x80: {  	v56 =	vpop (erf)  }
0x81: {  	v1 =	vadd.f32 v56, v55  }
0x82: {  	v57 =	vpop (erf)  }
0x83: {  	vm0 =	vge.f32 v8, v7;
	v58 =	vpop (erf);
	v1 =	vadd.f32 v57, v1  }
0x84: {  	v0 =	vsel vm0, $0x3F800000, v0;
	v59 =	vpop (erf)  }
0x85: {  	v60 =	vsub.f32 $5.000000000e+00, v0;
	v61 =	vpop (erf);
	v1 =	vadd.f32 v59, v1  }
0x86: {  	v62 =	vpop (erf)  }
0x87: {  	(erf) = vrcp.f32 v60;
	v2 =	vmul.f32 v62, v58;
	v1 =	vadd.f32 v61, v1;
	_ =	sdelay $0x1  }
0x88: {  	v0 =	vmul.f32 v0, v2;
	v1 =	vmul.f32 v1, v58;
	_ =	sdelay $0x1  }
0x89: {  	v2 =	vmul.f32 v60, v2;
	v0 =	vsub.f32 v1, v0;
	_ =	sdelay $0x1  }
0x8a: {  	v0 =	vsub.f32 v0, v2;
	_ =	sdelay $0x1  }
0x8b: {  	v0 =	vadd.f32 $0.0e+00, v0  }
0x8c: {  	v63 =	vpop (erf)  }
0x8d: {  	v0 =	vmul.f32 v0, v63;
	_ =	sdelay $0x1  }
0x8e: {  	[tilespmem:$0x400] =	vst v0  }
0x8f: {  	[hbm4b:s7+s2] =	stream.linear.scatter [tilespmem:s10], [sflag:$0x1], $0x10, $0x38;
	[tilespmem:$0x480] =	vst v63  }
0x90: {  	_ =	swait.ge [sflag:s3], $0x10  }
0x91: {  	[sflag:s3] =	ssyncset.done $0x0  }
0x92: {  	[sflag:s3] =	ssyncadd.s32 $0xFFFFFFF0  }
0x93: {  	_ =	sfence.sel $0x180000  }
0x94: {  	[bflag:$0x0] =	sbarrier.arrive $0xFFFF  }
0x95: {  	p0 =	sne.s32 s1, $0x0;
	_ =	strace $0x90000047  }
0x96: {  	s0 =	sadd.s32 @!p0 $0x100000, s0;
	[bflag:$0x2] =	sbarrier.arrive $0xFFFF  }
0x97: {  	[sflag:s0] =	ssyncadd.tile.s32 @!p0 $0x1;
	_ =	shalt  }
.Lfunc_end2:
_tile_overlayer_lowered:
.L_overlay_start_2:
0x98: {  	(tag) =	ssettag $0x2  }
0x99: {  	s0 =	rddreg [dreg:$0x0];
	s2 =	stileid.u32  }
0x9a: {  	s1 =	rddreg [dreg:$0x1];
	p0 =	sne.s32 s2, $0x0  }
0x9b: {  	s3 =	rddreg [dreg:$0x2];
	[bflag:$0x3] =	sbarrier.arrive $0xFFFF;
	s2 =	simm.s32 @!p0 $0x1C01  }
0x9c: {  	[timem:s3], [sflag:s2] =	dma.local @!p0 [hbm:s0], s1  }
0x9d: {  	s0 =	simm.s32 @!p0 $0x1  }
0x9e: {  	_ =	swait.ge @!p0 [sflag:s0], s1  }
0x9f: {  	s1 =	ssub.s32 @!p0 $0x0, s1;
	[sflag:s0] =	ssyncset.done @!p0 $0x0  }
0xa0: {  	[sflag:s0] =	ssyncadd.s32 @!p0 s1  }
0xa1: {  	[bflag:$0x3] =	sbarrier.arrive $0xFFFF  }
0xa2: {  	_ =	shalt  }

</sc_bundles>
